<compile_context>
chip_gen: v7x
topology: tpu7x:2x2x1
jax: 0.10.2.dev20260603
libtpu: 0.0.44.dev20260713+nightly
codegen_flags: <defaults>
</compile_context>

<pallas_src>
import functools

import jax
import jax.numpy as jnp
from jax import lax
from jax.experimental import pallas as pl
from jax.experimental.pallas import tpu as pltpu
from jax.experimental.pallas import tpu_sc as plsc

EMBED = 32
SEQ = 200
LANES = 16
IDX_MINOR = 100
ROWS_PER_CHUNK = 800
IDX_ROWS = ROWS_PER_CHUNK // IDX_MINOR


def _embed_kernel(rows_per_worker, x_hbm, tok_hbm, pos_hbm, out_hbm,
                  idx_v, rows_v, pos_v, gat_sem, out_sem):
    wid = lax.axis_index("s") * 2 + lax.axis_index("c")
    base_row = wid * rows_per_worker
    n_chunks = rows_per_worker // ROWS_PER_CHUNK

    pltpu.sync_copy(pos_hbm, pos_v)

    def stage_chunk(c, slot):
        row0 = pl.multiple_of(base_row + c * ROWS_PER_CHUNK, ROWS_PER_CHUNK)
        idx_row0 = pl.multiple_of(row0 // IDX_MINOR, 8)
        pltpu.sync_copy(x_hbm.at[pl.ds(idx_row0, IDX_ROWS)], idx_v.at[slot])
        for g in range(IDX_ROWS):
            pltpu.make_async_copy(
                tok_hbm.at[idx_v.at[slot, g]],
                rows_v.at[slot, pl.ds(g * IDX_MINOR, IDX_MINOR)],
                gat_sem.at[slot]).start()

    def wait_gathers(slot):
        pltpu.make_async_copy(
            out_hbm.at[pl.ds(0, ROWS_PER_CHUNK)], rows_v.at[slot],
            gat_sem.at[slot]).wait()

    def out_copy(c, slot):
        row0 = pl.multiple_of(base_row + c * ROWS_PER_CHUNK, ROWS_PER_CHUNK)
        return pltpu.make_async_copy(
            rows_v.at[slot], out_hbm.at[pl.ds(row0, ROWS_PER_CHUNK)],
            out_sem.at[slot])

    def add_pos(slot):
        def add_body(i, carry):
            p0 = pos_v[i, pl.ds(0, LANES)]
            p1 = pos_v[i, pl.ds(LANES, LANES)]
            for s in range(ROWS_PER_CHUNK // SEQ):
                r = s * SEQ + i
                rows_v[slot, r, pl.ds(0, LANES)] = (
                    rows_v[slot, r, pl.ds(0, LANES)] + p0)
                rows_v[slot, r, pl.ds(LANES, LANES)] = (
                    rows_v[slot, r, pl.ds(LANES, LANES)] + p1)
            return carry

        lax.fori_loop(0, SEQ, add_body, 0, unroll=2)

    stage_chunk(0, 0)

    def chunk_body(c, carry):
        slot = lax.rem(c, 2)
        nslot = 1 - slot

        @pl.when(c + 1 < n_chunks)
        def _():
            @pl.when(c >= 1)
            def _():
                out_copy(c - 1, nslot).wait()
            stage_chunk(c + 1, nslot)

        wait_gathers(slot)
        add_pos(slot)
        out_copy(c, slot).start()
        return carry

    lax.fori_loop(0, n_chunks, chunk_body, 0)

    out_copy(n_chunks - 2, 0).wait()
    out_copy(n_chunks - 1, 1).wait()


def kernel(x, token_table, pos_table):
    batch, seq = x.shape
    n_rows = batch * seq
    num_workers = 32
    rows_per_worker = n_rows // num_workers
    x_flat = x.reshape(n_rows // IDX_MINOR, IDX_MINOR).astype(jnp.int32)

    mesh = plsc.VectorSubcoreMesh(core_axis_name="c", subcore_axis_name="s")
    run = pl.kernel(
        functools.partial(_embed_kernel, rows_per_worker),
        mesh=mesh,
        out_type=jax.ShapeDtypeStruct((n_rows, EMBED), jnp.float32),
        scratch_types=[
            pltpu.VMEM((2, IDX_ROWS, IDX_MINOR), jnp.int32),
            pltpu.VMEM((2, ROWS_PER_CHUNK, EMBED), jnp.float32),
            pltpu.VMEM((SEQ, EMBED), jnp.float32),
            pltpu.SemaphoreType.DMA((2,)),
            pltpu.SemaphoreType.DMA((2,)),
        ],
        compiler_params=pltpu.CompilerParams(use_tc_tiling_on_sc=False),
    )
    out = run(x_flat, token_table, pos_table)
    return out.reshape(batch, seq, EMBED)

# --- scband reference (transcript-rebuilt; emitter-appended) ---
"""Pipeline reference for scband-embeddings-30915174596947 (READ-ONLY COPY).

The authoritative reference and input builder live on the scoring server;
editing this copy changes nothing except your own understanding.
"""

import jax, jax.numpy as jnp
import numpy as np

VOCAB = 1000000
EMBED = 32
MAX_SEQ = 200
BATCH = 4096
SEQ = 200

def setup_inputs(seed: int = 0) -> dict:
    key = jax.random.key(seed)
    k1, k2, k3 = jax.random.split(key, 3)
    x = jax.random.randint(k1, (BATCH, SEQ), 0, VOCAB, dtype=jnp.int64 if jax.config.jax_enable_x64 else jnp.int32)
    token_table = jax.random.normal(k2, (VOCAB, EMBED), dtype=jnp.float32)
    pos_table = jax.random.normal(k3, (MAX_SEQ, EMBED), dtype=jnp.float32)
    return {"x": x, "token_table": token_table, "pos_table": pos_table}

def reference(x, token_table, pos_table):
    batch_size, seq_len = x.shape
    token_embeddings = jnp.take(token_table, x, axis=0)
    position = jnp.arange(seq_len)
    pos_embeddings = jnp.take(pos_table, position, axis=0)
    return token_embeddings + pos_embeddings[None, :, :]

if __name__ == "__main__":
    import jax
    _d = setup_inputs()
    print(jax.jit(kernel)(*tuple(_d.values())))

</pallas_src>

<mosaic_0001>
#map = affine_map<(d0, d1) -> (0, 0)>
module attributes {stable_mosaic.version = 14 : i64} {
  func.func @_embed_kernel(%arg0: i32, %arg1: i32, %arg2: memref<8192x100xi32, #tpu.memory_space<hbm>>, %arg3: memref<1000000x32xf32, #tpu.memory_space<hbm>>, %arg4: memref<200x32xf32, #tpu.memory_space<hbm>>, %arg5: memref<819200x32xf32, #tpu.memory_space<hbm>>, %arg6: memref<2x8x100xi32, #tpu.memory_space<vmem>>, %arg7: memref<2x800x32xf32, #tpu.memory_space<vmem>>, %arg8: memref<200x32xf32, #tpu.memory_space<vmem>>, %arg9: memref<2x!tpu.dma_semaphore, #tpu.memory_space<semaphore_mem>>, %arg10: memref<2x!tpu.dma_semaphore, #tpu.memory_space<semaphore_mem>>) attributes {dimension_semantics = [#tpu.dimension_semantics<core_parallel>, #tpu.dimension_semantics<subcore_parallel>], iteration_bounds = array<i64: 2, 16>, scalar_prefetch = 0 : i64, scratch_operands = 5 : i64, tpu.core_type = #tpu.core_type<sc_vector_subcore>, window_params = [{transform_indices = #map}, {transform_indices = #map}, {transform_indices = #map}, {transform_indices = #map}]} {
    %mul3A = arith.constant 2 : i32
    %mul3A_0 = arith.muli %arg1, %mul3A : i32
    %add3A = arith.addi %mul3A_0, %arg0 : i32
    %mul3A_1 = arith.constant 25600 : i32
    %mul3A_2 = arith.muli %add3A, %mul3A_1 : i32
    "tpu.region"() ({
      %run_scoped3A_191 = tpu.sem_alloc : memref<!tpu.dma_semaphore, #tpu.memory_space<semaphore_mem>>
      tpu.enqueue_dma source(%arg4 : memref<200x32xf32, #tpu.memory_space<hbm>>) target(%arg8 : memref<200x32xf32, #tpu.memory_space<vmem>>) target_semaphore(%run_scoped3A_191 : memref<!tpu.dma_semaphore, #tpu.memory_space<semaphore_mem>>)
      tpu.wait_dma2 semaphore(%run_scoped3A_191 : memref<!tpu.dma_semaphore, #tpu.memory_space<semaphore_mem>>) src(%arg4 : memref<200x32xf32, #tpu.memory_space<hbm>>) dst(%arg8 : memref<200x32xf32, #tpu.memory_space<vmem>>)
      tpu.yield
    }) : () -> ()
    %add3A_3 = arith.constant 0 : i32
    %add3A_4 = arith.addi %mul3A_2, %add3A_3 : i32
    %multiple_of3A = tpu.assume_multiple %add3A_4, 800 : i32
    %jit3A = arith.constant 100 : i32
    %div3A = arith.divsi %multiple_of3A, %jit3A : i32
    %sign3A = arith.constant 0 : i32
    %sign3A_5 = arith.cmpi sgt, %multiple_of3A, %sign3A : i32
    %sign3A_6 = arith.extui %sign3A_5 : i1 to i32
    %sign3A_7 = arith.constant 0 : i32
    %sign3A_8 = arith.cmpi slt, %multiple_of3A, %sign3A_7 : i32
    %sign3A_9 = arith.extui %sign3A_8 : i1 to i32
    %sign3A_10 = arith.subi %sign3A_6, %sign3A_9 : i32
    %sign3A_11 = arith.constant 0 : i32
    %sign3A_12 = arith.cmpi sgt, %jit3A, %sign3A_11 : i32
    %sign3A_13 = arith.extui %sign3A_12 : i1 to i32
    %sign3A_14 = arith.constant 0 : i32
    %sign3A_15 = arith.cmpi slt, %jit3A, %sign3A_14 : i32
    %sign3A_16 = arith.extui %sign3A_15 : i1 to i32
    %sign3A_17 = arith.subi %sign3A_13, %sign3A_16 : i32
    %ne3A = arith.cmpi ne, %sign3A_10, %sign3A_17 : i32
    %rem3A = arith.remsi %multiple_of3A, %jit3A : i32
    %ne3A_18 = arith.constant 0 : i32
    %ne3A_19 = arith.cmpi ne, %rem3A, %ne3A_18 : i32
    %and3A = arith.andi %ne3A, %ne3A_19 : i1
    %sub3A = arith.constant 1 : i32
    %sub3A_20 = arith.subi %div3A, %sub3A : i32
    %select_n3A = arith.select %and3A, %sub3A_20, %div3A : i32
    %multiple_of3A_21 = tpu.assume_multiple %select_n3A, 8 : i32
    %run_scoped3A = arith.constant 0 : i32
    "tpu.region"() ({
      %run_scoped3A_191 = tpu.sem_alloc : memref<!tpu.dma_semaphore, #tpu.memory_space<semaphore_mem>>
      %dma_start3A_192 = arith.constant 0 : i32
      %dma_start3A_193 = arith.constant 0 : i32
      %dma_start3A_194 = tpu.memref_slice %arg6[%run_scoped3A, %dma_start3A_192, %dma_start3A_193] : memref<2x8x100xi32, #tpu.memory_space<vmem>> -> memref<1x8x100xi32, #tpu.memory_space<vmem>>
      %dma_start3A_195 = tpu.memref_squeeze %dma_start3A_194 : memref<1x8x100xi32, #tpu.memory_space<vmem>> -> memref<8x100xi32, #tpu.memory_space<vmem>>
      %dma_start3A_196 = arith.constant 0 : i32
      %dma_start3A_197 = tpu.memref_slice %arg2[%multiple_of3A_21, %dma_start3A_196] : memref<8192x100xi32, #tpu.memory_space<hbm>> -> memref<8x100xi32, #tpu.memory_space<hbm>>
      %dma_start3A_198 = arith.constant 0 : i32
      %dma_start3A_199 = arith.constant 0 : i32
      %dma_start3A_200 = tpu.memref_slice %arg6[%run_scoped3A, %dma_start3A_198, %dma_start3A_199] : memref<2x8x100xi32, #tpu.memory_space<vmem>> -> memref<1x8x100xi32, #tpu.memory_space<vmem>>
      %dma_start3A_201 = tpu.memref_squeeze %dma_start3A_200 : memref<1x8x100xi32, #tpu.memory_space<vmem>> -> memref<8x100xi32, #tpu.memory_space<vmem>>
      %dma_start3A_202 = arith.constant 0 : i32
      %dma_start3A_203 = tpu.memref_slice %arg2[%multiple_of3A_21, %dma_start3A_202] : memref<8192x100xi32, #tpu.memory_space<hbm>> -> memref<8x100xi32, #tpu.memory_space<hbm>>
      tpu.enqueue_dma source(%dma_start3A_203 : memref<8x100xi32, #tpu.memory_space<hbm>>) target(%dma_start3A_201 : memref<8x100xi32, #tpu.memory_space<vmem>>) target_semaphore(%run_scoped3A_191 : memref<!tpu.dma_semaphore, #tpu.memory_space<semaphore_mem>>)
      %dma_wait3A_204 = arith.constant 0 : i32
      %dma_wait3A_205 = arith.constant 0 : i32
      %dma_wait3A_206 = tpu.memref_slice %arg6[%run_scoped3A, %dma_wait3A_204, %dma_wait3A_205] : memref<2x8x100xi32, #tpu.memory_space<vmem>> -> memref<1x8x100xi32, #tpu.memory_space<vmem>>
      %dma_wait3A_207 = tpu.memref_squeeze %dma_wait3A_206 : memref<1x8x100xi32, #tpu.memory_space<vmem>> -> memref<8x100xi32, #tpu.memory_space<vmem>>
      %dma_wait3A_208 = arith.constant 0 : i32
      %dma_wait3A_209 = tpu.memref_slice %arg2[%multiple_of3A_21, %dma_wait3A_208] : memref<8192x100xi32, #tpu.memory_space<hbm>> -> memref<8x100xi32, #tpu.memory_space<hbm>>
      %dma_wait3A_210 = arith.constant 0 : i32
      %dma_wait3A_211 = arith.constant 0 : i32
      %dma_wait3A_212 = tpu.memref_slice %arg6[%run_scoped3A, %dma_wait3A_210, %dma_wait3A_211] : memref<2x8x100xi32, #tpu.memory_space<vmem>> -> memref<1x8x100xi32, #tpu.memory_space<vmem>>
      %dma_wait3A_213 = tpu.memref_squeeze %dma_wait3A_212 : memref<1x8x100xi32, #tpu.memory_space<vmem>> -> memref<8x100xi32, #tpu.memory_space<vmem>>
      %dma_wait3A_214 = arith.constant 0 : i32
      %dma_wait3A_215 = tpu.memref_slice %arg2[%multiple_of3A_21, %dma_wait3A_214] : memref<8192x100xi32, #tpu.memory_space<hbm>> -> memref<8x100xi32, #tpu.memory_space<hbm>>
      tpu.wait_dma2 semaphore(%run_scoped3A_191 : memref<!tpu.dma_semaphore, #tpu.memory_space<semaphore_mem>>) src(%dma_wait3A_215 : memref<8x100xi32, #tpu.memory_space<hbm>>) dst(%dma_wait3A_213 : memref<8x100xi32, #tpu.memory_space<vmem>>)
      tpu.yield
    }) : () -> ()
    %dma_start3A = arith.constant 0 : i32
    %dma_start3A_22 = arith.constant 0 : i32
    %dma_start3A_23 = arith.constant 0 : i32
    %dma_start3A_24 = arith.constant 0 : i32
    %dma_start3A_25 = arith.constant 0 : i32
    %dma_start3A_26 = arith.constant 0 : i32
    %dma_start3A_27 = tpu.memref_slice %arg7[%dma_start3A_23, %dma_start3A_25, %dma_start3A_26] : memref<2x800x32xf32, #tpu.memory_space<vmem>> -> memref<1x100x32xf32, #tpu.memory_space<vmem>>
    %dma_start3A_28 = tpu.memref_squeeze %dma_start3A_27 : memref<1x100x32xf32, #tpu.memory_space<vmem>> -> memref<100x32xf32, #tpu.memory_space<vmem>>
    %dma_start3A_29 = arith.constant 0 : i32
    %dma_start3A_30 = tpu.memref_slice %arg6[%dma_start3A, %dma_start3A_22, %dma_start3A_29] : memref<2x8x100xi32, #tpu.memory_space<vmem>> -> memref<1x1x100xi32, #tpu.memory_space<vmem>>
    %dma_start3A_31 = tpu.memref_squeeze %dma_start3A_30 : memref<1x1x100xi32, #tpu.memory_space<vmem>> -> memref<100xi32, #tpu.memory_space<vmem>>
    %dma_start3A_32 = arith.constant 0 : i32
    %dma_start3A_33 = arith.constant 0 : i32
    %dma_start3A_34 = tpu.memref_slice %arg3[%dma_start3A_32, %dma_start3A_33] : memref<1000000x32xf32, #tpu.memory_space<hbm>> -> memref<1000000x32xf32, #tpu.memory_space<hbm>>
    %dma_start3A_35 = tpu.memref_slice %arg9[%dma_start3A_24] : memref<2x!tpu.dma_semaphore, #tpu.memory_space<semaphore_mem>> -> memref<1x!tpu.dma_semaphore, #tpu.memory_space<semaphore_mem>>
    %dma_start3A_36 = tpu.memref_squeeze %dma_start3A_35 : memref<1x!tpu.dma_semaphore, #tpu.memory_space<semaphore_mem>> -> memref<!tpu.dma_semaphore, #tpu.memory_space<semaphore_mem>>
    tpu.enqueue_indirect_dma source(%dma_start3A_34 : memref<1000000x32xf32, #tpu.memory_space<hbm>>) target(%dma_start3A_28 : memref<100x32xf32, #tpu.memory_space<vmem>>) offsets(%dma_start3A_31 : memref<100xi32, #tpu.memory_space<vmem>>) semaphore(%dma_start3A_36 : memref<!tpu.dma_semaphore, #tpu.memory_space<semaphore_mem>>)
    %dma_start3A_37 = arith.constant 0 : i32
    %dma_start3A_38 = arith.constant 1 : i32
    %dma_start3A_39 = arith.constant 0 : i32
    %dma_start3A_40 = arith.constant 0 : i32
    %dma_start3A_41 = arith.constant 100 : i32
    %dma_start3A_42 = arith.constant 0 : i32
    %dma_start3A_43 = tpu.memref_slice %arg7[%dma_start3A_39, %dma_start3A_41, %dma_start3A_42] : memref<2x800x32xf32, #tpu.memory_space<vmem>> -> memref<1x100x32xf32, #tpu.memory_space<vmem>>
    %dma_start3A_44 = tpu.memref_squeeze %dma_start3A_43 : memref<1x100x32xf32, #tpu.memory_space<vmem>> -> memref<100x32xf32, #tpu.memory_space<vmem>>
    %dma_start3A_45 = arith.constant 0 : i32
    %dma_start3A_46 = tpu.memref_slice %arg6[%dma_start3A_37, %dma_start3A_38, %dma_start3A_45] : memref<2x8x100xi32, #tpu.memory_space<vmem>> -> memref<1x1x100xi32, #tpu.memory_space<vmem>>
    %dma_start3A_47 = tpu.memref_squeeze %dma_start3A_46 : memref<1x1x100xi32, #tpu.memory_space<vmem>> -> memref<100xi32, #tpu.memory_space<vmem>>
    %dma_start3A_48 = arith.constant 0 : i32
    %dma_start3A_49 = arith.constant 0 : i32
    %dma_start3A_50 = tpu.memref_slice %arg3[%dma_start3A_48, %dma_start3A_49] : memref<1000000x32xf32, #tpu.memory_space<hbm>> -> memref<1000000x32xf32, #tpu.memory_space<hbm>>
    %dma_start3A_51 = tpu.memref_slice %arg9[%dma_start3A_40] : memref<2x!tpu.dma_semaphore, #tpu.memory_space<semaphore_mem>> -> memref<1x!tpu.dma_semaphore, #tpu.memory_space<semaphore_mem>>
    %dma_start3A_52 = tpu.memref_squeeze %dma_start3A_51 : memref<1x!tpu.dma_semaphore, #tpu.memory_space<semaphore_mem>> -> memref<!tpu.dma_semaphore, #tpu.memory_space<semaphore_mem>>
    tpu.enqueue_indirect_dma source(%dma_start3A_50 : memref<1000000x32xf32, #tpu.memory_space<hbm>>) target(%dma_start3A_44 : memref<100x32xf32, #tpu.memory_space<vmem>>) offsets(%dma_start3A_47 : memref<100xi32, #tpu.memory_space<vmem>>) semaphore(%dma_start3A_52 : memref<!tpu.dma_semaphore, #tpu.memory_space<semaphore_mem>>)
    %dma_start3A_53 = arith.constant 0 : i32
    %dma_start3A_54 = arith.constant 2 : i32
    %dma_start3A_55 = arith.constant 0 : i32
    %dma_start3A_56 = arith.constant 0 : i32
    %dma_start3A_57 = arith.constant 200 : i32
    %dma_start3A_58 = arith.constant 0 : i32
    %dma_start3A_59 = tpu.memref_slice %arg7[%dma_start3A_55, %dma_start3A_57, %dma_start3A_58] : memref<2x800x32xf32, #tpu.memory_space<vmem>> -> memref<1x100x32xf32, #tpu.memory_space<vmem>>
    %dma_start3A_60 = tpu.memref_squeeze %dma_start3A_59 : memref<1x100x32xf32, #tpu.memory_space<vmem>> -> memref<100x32xf32, #tpu.memory_space<vmem>>
    %dma_start3A_61 = arith.constant 0 : i32
    %dma_start3A_62 = tpu.memref_slice %arg6[%dma_start3A_53, %dma_start3A_54, %dma_start3A_61] : memref<2x8x100xi32, #tpu.memory_space<vmem>> -> memref<1x1x100xi32, #tpu.memory_space<vmem>>
    %dma_start3A_63 = tpu.memref_squeeze %dma_start3A_62 : memref<1x1x100xi32, #tpu.memory_space<vmem>> -> memref<100xi32, #tpu.memory_space<vmem>>
    %dma_start3A_64 = arith.constant 0 : i32
    %dma_start3A_65 = arith.constant 0 : i32
    %dma_start3A_66 = tpu.memref_slice %arg3[%dma_start3A_64, %dma_start3A_65] : memref<1000000x32xf32, #tpu.memory_space<hbm>> -> memref<1000000x32xf32, #tpu.memory_space<hbm>>
    %dma_start3A_67 = tpu.memref_slice %arg9[%dma_start3A_56] : memref<2x!tpu.dma_semaphore, #tpu.memory_space<semaphore_mem>> -> memref<1x!tpu.dma_semaphore, #tpu.memory_space<semaphore_mem>>
    %dma_start3A_68 = tpu.memref_squeeze %dma_start3A_67 : memref<1x!tpu.dma_semaphore, #tpu.memory_space<semaphore_mem>> -> memref<!tpu.dma_semaphore, #tpu.memory_space<semaphore_mem>>
    tpu.enqueue_indirect_dma source(%dma_start3A_66 : memref<1000000x32xf32, #tpu.memory_space<hbm>>) target(%dma_start3A_60 : memref<100x32xf32, #tpu.memory_space<vmem>>) offsets(%dma_start3A_63 : memref<100xi32, #tpu.memory_space<vmem>>) semaphore(%dma_start3A_68 : memref<!tpu.dma_semaphore, #tpu.memory_space<semaphore_mem>>)
    %dma_start3A_69 = arith.constant 0 : i32
    %dma_start3A_70 = arith.constant 3 : i32
    %dma_start3A_71 = arith.constant 0 : i32
    %dma_start3A_72 = arith.constant 0 : i32
    %dma_start3A_73 = arith.constant 300 : i32
    %dma_start3A_74 = arith.constant 0 : i32
    %dma_start3A_75 = tpu.memref_slice %arg7[%dma_start3A_71, %dma_start3A_73, %dma_start3A_74] : memref<2x800x32xf32, #tpu.memory_space<vmem>> -> memref<1x100x32xf32, #tpu.memory_space<vmem>>
    %dma_start3A_76 = tpu.memref_squeeze %dma_start3A_75 : memref<1x100x32xf32, #tpu.memory_space<vmem>> -> memref<100x32xf32, #tpu.memory_space<vmem>>
    %dma_start3A_77 = arith.constant 0 : i32
    %dma_start3A_78 = tpu.memref_slice %arg6[%dma_start3A_69, %dma_start3A_70, %dma_start3A_77] : memref<2x8x100xi32, #tpu.memory_space<vmem>> -> memref<1x1x100xi32, #tpu.memory_space<vmem>>
    %dma_start3A_79 = tpu.memref_squeeze %dma_start3A_78 : memref<1x1x100xi32, #tpu.memory_space<vmem>> -> memref<100xi32, #tpu.memory_space<vmem>>
    %dma_start3A_80 = arith.constant 0 : i32
    %dma_start3A_81 = arith.constant 0 : i32
    %dma_start3A_82 = tpu.memref_slice %arg3[%dma_start3A_80, %dma_start3A_81] : memref<1000000x32xf32, #tpu.memory_space<hbm>> -> memref<1000000x32xf32, #tpu.memory_space<hbm>>
    %dma_start3A_83 = tpu.memref_slice %arg9[%dma_start3A_72] : memref<2x!tpu.dma_semaphore, #tpu.memory_space<semaphore_mem>> -> memref<1x!tpu.dma_semaphore, #tpu.memory_space<semaphore_mem>>
    %dma_start3A_84 = tpu.memref_squeeze %dma_start3A_83 : memref<1x!tpu.dma_semaphore, #tpu.memory_space<semaphore_mem>> -> memref<!tpu.dma_semaphore, #tpu.memory_space<semaphore_mem>>
    tpu.enqueue_indirect_dma source(%dma_start3A_82 : memref<1000000x32xf32, #tpu.memory_space<hbm>>) target(%dma_start3A_76 : memref<100x32xf32, #tpu.memory_space<vmem>>) offsets(%dma_start3A_79 : memref<100xi32, #tpu.memory_space<vmem>>) semaphore(%dma_start3A_84 : memref<!tpu.dma_semaphore, #tpu.memory_space<semaphore_mem>>)
    %dma_start3A_85 = arith.constant 0 : i32
    %dma_start3A_86 = arith.constant 4 : i32
    %dma_start3A_87 = arith.constant 0 : i32
    %dma_start3A_88 = arith.constant 0 : i32
    %dma_start3A_89 = arith.constant 400 : i32
    %dma_start3A_90 = arith.constant 0 : i32
    %dma_start3A_91 = tpu.memref_slice %arg7[%dma_start3A_87, %dma_start3A_89, %dma_start3A_90] : memref<2x800x32xf32, #tpu.memory_space<vmem>> -> memref<1x100x32xf32, #tpu.memory_space<vmem>>
    %dma_start3A_92 = tpu.memref_squeeze %dma_start3A_91 : memref<1x100x32xf32, #tpu.memory_space<vmem>> -> memref<100x32xf32, #tpu.memory_space<vmem>>
    %dma_start3A_93 = arith.constant 0 : i32
    %dma_start3A_94 = tpu.memref_slice %arg6[%dma_start3A_85, %dma_start3A_86, %dma_start3A_93] : memref<2x8x100xi32, #tpu.memory_space<vmem>> -> memref<1x1x100xi32, #tpu.memory_space<vmem>>
    %dma_start3A_95 = tpu.memref_squeeze %dma_start3A_94 : memref<1x1x100xi32, #tpu.memory_space<vmem>> -> memref<100xi32, #tpu.memory_space<vmem>>
    %dma_start3A_96 = arith.constant 0 : i32
    %dma_start3A_97 = arith.constant 0 : i32
    %dma_start3A_98 = tpu.memref_slice %arg3[%dma_start3A_96, %dma_start3A_97] : memref<1000000x32xf32, #tpu.memory_space<hbm>> -> memref<1000000x32xf32, #tpu.memory_space<hbm>>
    %dma_start3A_99 = tpu.memref_slice %arg9[%dma_start3A_88] : memref<2x!tpu.dma_semaphore, #tpu.memory_space<semaphore_mem>> -> memref<1x!tpu.dma_semaphore, #tpu.memory_space<semaphore_mem>>
    %dma_start3A_100 = tpu.memref_squeeze %dma_start3A_99 : memref<1x!tpu.dma_semaphore, #tpu.memory_space<semaphore_mem>> -> memref<!tpu.dma_semaphore, #tpu.memory_space<semaphore_mem>>
    tpu.enqueue_indirect_dma source(%dma_start3A_98 : memref<1000000x32xf32, #tpu.memory_space<hbm>>) target(%dma_start3A_92 : memref<100x32xf32, #tpu.memory_space<vmem>>) offsets(%dma_start3A_95 : memref<100xi32, #tpu.memory_space<vmem>>) semaphore(%dma_start3A_100 : memref<!tpu.dma_semaphore, #tpu.memory_space<semaphore_mem>>)
    %dma_start3A_101 = arith.constant 0 : i32
    %dma_start3A_102 = arith.constant 5 : i32
    %dma_start3A_103 = arith.constant 0 : i32
    %dma_start3A_104 = arith.constant 0 : i32
    %dma_start3A_105 = arith.constant 500 : i32
    %dma_start3A_106 = arith.constant 0 : i32
    %dma_start3A_107 = tpu.memref_slice %arg7[%dma_start3A_103, %dma_start3A_105, %dma_start3A_106] : memref<2x800x32xf32, #tpu.memory_space<vmem>> -> memref<1x100x32xf32, #tpu.memory_space<vmem>>
    %dma_start3A_108 = tpu.memref_squeeze %dma_start3A_107 : memref<1x100x32xf32, #tpu.memory_space<vmem>> -> memref<100x32xf32, #tpu.memory_space<vmem>>
    %dma_start3A_109 = arith.constant 0 : i32
    %dma_start3A_110 = tpu.memref_slice %arg6[%dma_start3A_101, %dma_start3A_102, %dma_start3A_109] : memref<2x8x100xi32, #tpu.memory_space<vmem>> -> memref<1x1x100xi32, #tpu.memory_space<vmem>>
    %dma_start3A_111 = tpu.memref_squeeze %dma_start3A_110 : memref<1x1x100xi32, #tpu.memory_space<vmem>> -> memref<100xi32, #tpu.memory_space<vmem>>
    %dma_start3A_112 = arith.constant 0 : i32
    %dma_start3A_113 = arith.constant 0 : i32
    %dma_start3A_114 = tpu.memref_slice %arg3[%dma_start3A_112, %dma_start3A_113] : memref<1000000x32xf32, #tpu.memory_space<hbm>> -> memref<1000000x32xf32, #tpu.memory_space<hbm>>
    %dma_start3A_115 = tpu.memref_slice %arg9[%dma_start3A_104] : memref<2x!tpu.dma_semaphore, #tpu.memory_space<semaphore_mem>> -> memref<1x!tpu.dma_semaphore, #tpu.memory_space<semaphore_mem>>
    %dma_start3A_116 = tpu.memref_squeeze %dma_start3A_115 : memref<1x!tpu.dma_semaphore, #tpu.memory_space<semaphore_mem>> -> memref<!tpu.dma_semaphore, #tpu.memory_space<semaphore_mem>>
    tpu.enqueue_indirect_dma source(%dma_start3A_114 : memref<1000000x32xf32, #tpu.memory_space<hbm>>) target(%dma_start3A_108 : memref<100x32xf32, #tpu.memory_space<vmem>>) offsets(%dma_start3A_111 : memref<100xi32, #tpu.memory_space<vmem>>) semaphore(%dma_start3A_116 : memref<!tpu.dma_semaphore, #tpu.memory_space<semaphore_mem>>)
    %dma_start3A_117 = arith.constant 0 : i32
    %dma_start3A_118 = arith.constant 6 : i32
    %dma_start3A_119 = arith.constant 0 : i32
    %dma_start3A_120 = arith.constant 0 : i32
    %dma_start3A_121 = arith.constant 600 : i32
    %dma_start3A_122 = arith.constant 0 : i32
    %dma_start3A_123 = tpu.memref_slice %arg7[%dma_start3A_119, %dma_start3A_121, %dma_start3A_122] : memref<2x800x32xf32, #tpu.memory_space<vmem>> -> memref<1x100x32xf32, #tpu.memory_space<vmem>>
    %dma_start3A_124 = tpu.memref_squeeze %dma_start3A_123 : memref<1x100x32xf32, #tpu.memory_space<vmem>> -> memref<100x32xf32, #tpu.memory_space<vmem>>
    %dma_start3A_125 = arith.constant 0 : i32
    %dma_start3A_126 = tpu.memref_slice %arg6[%dma_start3A_117, %dma_start3A_118, %dma_start3A_125] : memref<2x8x100xi32, #tpu.memory_space<vmem>> -> memref<1x1x100xi32, #tpu.memory_space<vmem>>
    %dma_start3A_127 = tpu.memref_squeeze %dma_start3A_126 : memref<1x1x100xi32, #tpu.memory_space<vmem>> -> memref<100xi32, #tpu.memory_space<vmem>>
    %dma_start3A_128 = arith.constant 0 : i32
    %dma_start3A_129 = arith.constant 0 : i32
    %dma_start3A_130 = tpu.memref_slice %arg3[%dma_start3A_128, %dma_start3A_129] : memref<1000000x32xf32, #tpu.memory_space<hbm>> -> memref<1000000x32xf32, #tpu.memory_space<hbm>>
    %dma_start3A_131 = tpu.memref_slice %arg9[%dma_start3A_120] : memref<2x!tpu.dma_semaphore, #tpu.memory_space<semaphore_mem>> -> memref<1x!tpu.dma_semaphore, #tpu.memory_space<semaphore_mem>>
    %dma_start3A_132 = tpu.memref_squeeze %dma_start3A_131 : memref<1x!tpu.dma_semaphore, #tpu.memory_space<semaphore_mem>> -> memref<!tpu.dma_semaphore, #tpu.memory_space<semaphore_mem>>
    tpu.enqueue_indirect_dma source(%dma_start3A_130 : memref<1000000x32xf32, #tpu.memory_space<hbm>>) target(%dma_start3A_124 : memref<100x32xf32, #tpu.memory_space<vmem>>) offsets(%dma_start3A_127 : memref<100xi32, #tpu.memory_space<vmem>>) semaphore(%dma_start3A_132 : memref<!tpu.dma_semaphore, #tpu.memory_space<semaphore_mem>>)
    %dma_start3A_133 = arith.constant 0 : i32
    %dma_start3A_134 = arith.constant 7 : i32
    %dma_start3A_135 = arith.constant 0 : i32
    %dma_start3A_136 = arith.constant 0 : i32
    %dma_start3A_137 = arith.constant 700 : i32
    %dma_start3A_138 = arith.constant 0 : i32
    %dma_start3A_139 = tpu.memref_slice %arg7[%dma_start3A_135, %dma_start3A_137, %dma_start3A_138] : memref<2x800x32xf32, #tpu.memory_space<vmem>> -> memref<1x100x32xf32, #tpu.memory_space<vmem>>
    %dma_start3A_140 = tpu.memref_squeeze %dma_start3A_139 : memref<1x100x32xf32, #tpu.memory_space<vmem>> -> memref<100x32xf32, #tpu.memory_space<vmem>>
    %dma_start3A_141 = arith.constant 0 : i32
    %dma_start3A_142 = tpu.memref_slice %arg6[%dma_start3A_133, %dma_start3A_134, %dma_start3A_141] : memref<2x8x100xi32, #tpu.memory_space<vmem>> -> memref<1x1x100xi32, #tpu.memory_space<vmem>>
    %dma_start3A_143 = tpu.memref_squeeze %dma_start3A_142 : memref<1x1x100xi32, #tpu.memory_space<vmem>> -> memref<100xi32, #tpu.memory_space<vmem>>
    %dma_start3A_144 = arith.constant 0 : i32
    %dma_start3A_145 = arith.constant 0 : i32
    %dma_start3A_146 = tpu.memref_slice %arg3[%dma_start3A_144, %dma_start3A_145] : memref<1000000x32xf32, #tpu.memory_space<hbm>> -> memref<1000000x32xf32, #tpu.memory_space<hbm>>
    %dma_start3A_147 = tpu.memref_slice %arg9[%dma_start3A_136] : memref<2x!tpu.dma_semaphore, #tpu.memory_space<semaphore_mem>> -> memref<1x!tpu.dma_semaphore, #tpu.memory_space<semaphore_mem>>
    %dma_start3A_148 = tpu.memref_squeeze %dma_start3A_147 : memref<1x!tpu.dma_semaphore, #tpu.memory_space<semaphore_mem>> -> memref<!tpu.dma_semaphore, #tpu.memory_space<semaphore_mem>>
    tpu.enqueue_indirect_dma source(%dma_start3A_146 : memref<1000000x32xf32, #tpu.memory_space<hbm>>) target(%dma_start3A_140 : memref<100x32xf32, #tpu.memory_space<vmem>>) offsets(%dma_start3A_143 : memref<100xi32, #tpu.memory_space<vmem>>) semaphore(%dma_start3A_148 : memref<!tpu.dma_semaphore, #tpu.memory_space<semaphore_mem>>)
    %scan3A = arith.constant 0 : i32
    %scan3A_149 = arith.constant 0 : i32
    %scan3A_150 = arith.constant 32 : i32
    %scan3A_151 = arith.addi %scan3A_149, %scan3A_150 : i32
    %scan3A_152 = arith.constant 1 : i32
    scf.for %scan3A_191 = %scan3A_149 to %scan3A_151 step %scan3A_152  : i32 {
      %rem3A_192 = arith.constant 2 : i32
      %rem3A_193 = arith.remsi %scan3A_191, %rem3A_192 : i32
      %sub3A_194 = arith.constant 1 : i32
      %sub3A_195 = arith.subi %sub3A_194, %rem3A_193 : i32
      %add3A_196 = arith.constant 1 : i32
      %add3A_197 = arith.addi %scan3A_191, %add3A_196 : i32
      %lt3A = arith.constant 32 : i32
      %lt3A_198 = arith.cmpi slt, %add3A_197, %lt3A : i32
      %convert_element_type3A = arith.extui %lt3A_198 : i1 to i32
      %cond3A = arith.constant 0 : i32
      %cond3A_199 = arith.cmpi ne, %convert_element_type3A, %cond3A : i32
      scf.if %cond3A_199 {
        %ge3A = arith.constant 1 : i32
        %ge3A_240 = arith.cmpi sge, %scan3A_191, %ge3A : i32
        %convert_element_type3A_241 = arith.extui %ge3A_240 : i1 to i32
        %cond3A_242 = arith.constant 0 : i32
        %cond3A_243 = arith.cmpi ne, %convert_element_type3A_241, %cond3A_242 : i32
        scf.if %cond3A_243 {
          %sub3A_379 = arith.constant 1 : i32
          %sub3A_380 = arith.subi %scan3A_191, %sub3A_379 : i32
          %mul3A_381 = arith.constant 800 : i32
          %mul3A_382 = arith.muli %sub3A_380, %mul3A_381 : i32
          %add3A_383 = arith.addi %mul3A_2, %mul3A_382 : i32
          %multiple_of3A_384 = tpu.assume_multiple %add3A_383, 800 : i32
          %dma_wait3A_385 = arith.constant 0 : i32
          %dma_wait3A_386 = arith.constant 0 : i32
          %dma_wait3A_387 = tpu.memref_slice %arg7[%sub3A_195, %dma_wait3A_385, %dma_wait3A_386] : memref<2x800x32xf32, #tpu.memory_space<vmem>> -> memref<1x800x32xf32, #tpu.memory_space<vmem>>
          %dma_wait3A_388 = tpu.memref_squeeze %dma_wait3A_387 : memref<1x800x32xf32, #tpu.memory_space<vmem>> -> memref<800x32xf32, #tpu.memory_space<vmem>>
          %dma_wait3A_389 = arith.constant 0 : i32
          %dma_wait3A_390 = tpu.memref_slice %arg5[%multiple_of3A_384, %dma_wait3A_389] : memref<819200x32xf32, #tpu.memory_space<hbm>> -> memref<800x32xf32, #tpu.memory_space<hbm>>
          %dma_wait3A_391 = tpu.memref_slice %arg10[%sub3A_195] : memref<2x!tpu.dma_semaphore, #tpu.memory_space<semaphore_mem>> -> memref<1x!tpu.dma_semaphore, #tpu.memory_space<semaphore_mem>>
          %dma_wait3A_392 = tpu.memref_squeeze %dma_wait3A_391 : memref<1x!tpu.dma_semaphore, #tpu.memory_space<semaphore_mem>> -> memref<!tpu.dma_semaphore, #tpu.memory_space<semaphore_mem>>
          %dma_wait3A_393 = arith.constant 0 : i32
          %dma_wait3A_394 = tpu.memref_slice %arg5[%multiple_of3A_384, %dma_wait3A_393] : memref<819200x32xf32, #tpu.memory_space<hbm>> -> memref<800x32xf32, #tpu.memory_space<hbm>>
          %dma_wait3A_395 = arith.constant 0 : i32
          %dma_wait3A_396 = arith.constant 0 : i32
          %dma_wait3A_397 = tpu.memref_slice %arg7[%sub3A_195, %dma_wait3A_395, %dma_wait3A_396] : memref<2x800x32xf32, #tpu.memory_space<vmem>> -> memref<1x800x32xf32, #tpu.memory_space<vmem>>
          %dma_wait3A_398 = tpu.memref_squeeze %dma_wait3A_397 : memref<1x800x32xf32, #tpu.memory_space<vmem>> -> memref<800x32xf32, #tpu.memory_space<vmem>>
          tpu.wait_dma2 semaphore(%dma_wait3A_392 : memref<!tpu.dma_semaphore, #tpu.memory_space<semaphore_mem>>) src(%dma_wait3A_398 : memref<800x32xf32, #tpu.memory_space<vmem>>) dst(%dma_wait3A_394 : memref<800x32xf32, #tpu.memory_space<hbm>>)
        } else {
        }
        %add3A_244 = arith.constant 1 : i32
        %add3A_245 = arith.addi %scan3A_191, %add3A_244 : i32
        %mul3A_246 = arith.constant 800 : i32
        %mul3A_247 = arith.muli %add3A_245, %mul3A_246 : i32
        %add3A_248 = arith.addi %mul3A_2, %mul3A_247 : i32
        %multiple_of3A_249 = tpu.assume_multiple %add3A_248, 800 : i32
        %jit3A_250 = arith.constant 100 : i32
        %div3A_251 = arith.divsi %multiple_of3A_249, %jit3A_250 : i32
        %sign3A_252 = arith.constant 0 : i32
        %sign3A_253 = arith.cmpi sgt, %multiple_of3A_249, %sign3A_252 : i32
        %sign3A_254 = arith.extui %sign3A_253 : i1 to i32
        %sign3A_255 = arith.constant 0 : i32
        %sign3A_256 = arith.cmpi slt, %multiple_of3A_249, %sign3A_255 : i32
        %sign3A_257 = arith.extui %sign3A_256 : i1 to i32
        %sign3A_258 = arith.subi %sign3A_254, %sign3A_257 : i32
        %sign3A_259 = arith.constant 0 : i32
        %sign3A_260 = arith.cmpi sgt, %jit3A_250, %sign3A_259 : i32
        %sign3A_261 = arith.extui %sign3A_260 : i1 to i32
        %sign3A_262 = arith.constant 0 : i32
        %sign3A_263 = arith.cmpi slt, %jit3A_250, %sign3A_262 : i32
        %sign3A_264 = arith.extui %sign3A_263 : i1 to i32
        %sign3A_265 = arith.subi %sign3A_261, %sign3A_264 : i32
        %ne3A_266 = arith.cmpi ne, %sign3A_258, %sign3A_265 : i32
        %rem3A_267 = arith.remsi %multiple_of3A_249, %jit3A_250 : i32
        %ne3A_268 = arith.constant 0 : i32
        %ne3A_269 = arith.cmpi ne, %rem3A_267, %ne3A_268 : i32
        %and3A_270 = arith.andi %ne3A_266, %ne3A_269 : i1
        %sub3A_271 = arith.constant 1 : i32
        %sub3A_272 = arith.subi %div3A_251, %sub3A_271 : i32
        %select_n3A_273 = arith.select %and3A_270, %sub3A_272, %div3A_251 : i32
        %multiple_of3A_274 = tpu.assume_multiple %select_n3A_273, 8 : i32
        "tpu.region"() ({
          %run_scoped3A_379 = tpu.sem_alloc : memref<!tpu.dma_semaphore, #tpu.memory_space<semaphore_mem>>
          %dma_start3A_380 = arith.constant 0 : i32
          %dma_start3A_381 = arith.constant 0 : i32
          %dma_start3A_382 = tpu.memref_slice %arg6[%sub3A_195, %dma_start3A_380, %dma_start3A_381] : memref<2x8x100xi32, #tpu.memory_space<vmem>> -> memref<1x8x100xi32, #tpu.memory_space<vmem>>
          %dma_start3A_383 = tpu.memref_squeeze %dma_start3A_382 : memref<1x8x100xi32, #tpu.memory_space<vmem>> -> memref<8x100xi32, #tpu.memory_space<vmem>>
          %dma_start3A_384 = arith.constant 0 : i32
          %dma_start3A_385 = tpu.memref_slice %arg2[%multiple_of3A_274, %dma_start3A_384] : memref<8192x100xi32, #tpu.memory_space<hbm>> -> memref<8x100xi32, #tpu.memory_space<hbm>>
          %dma_start3A_386 = arith.constant 0 : i32
          %dma_start3A_387 = arith.constant 0 : i32
          %dma_start3A_388 = tpu.memref_slice %arg6[%sub3A_195, %dma_start3A_386, %dma_start3A_387] : memref<2x8x100xi32, #tpu.memory_space<vmem>> -> memref<1x8x100xi32, #tpu.memory_space<vmem>>
          %dma_start3A_389 = tpu.memref_squeeze %dma_start3A_388 : memref<1x8x100xi32, #tpu.memory_space<vmem>> -> memref<8x100xi32, #tpu.memory_space<vmem>>
          %dma_start3A_390 = arith.constant 0 : i32
          %dma_start3A_391 = tpu.memref_slice %arg2[%multiple_of3A_274, %dma_start3A_390] : memref<8192x100xi32, #tpu.memory_space<hbm>> -> memref<8x100xi32, #tpu.memory_space<hbm>>
          tpu.enqueue_dma source(%dma_start3A_391 : memref<8x100xi32, #tpu.memory_space<hbm>>) target(%dma_start3A_389 : memref<8x100xi32, #tpu.memory_space<vmem>>) target_semaphore(%run_scoped3A_379 : memref<!tpu.dma_semaphore, #tpu.memory_space<semaphore_mem>>)
          %dma_wait3A_392 = arith.constant 0 : i32
          %dma_wait3A_393 = arith.constant 0 : i32
          %dma_wait3A_394 = tpu.memref_slice %arg6[%sub3A_195, %dma_wait3A_392, %dma_wait3A_393] : memref<2x8x100xi32, #tpu.memory_space<vmem>> -> memref<1x8x100xi32, #tpu.memory_space<vmem>>
          %dma_wait3A_395 = tpu.memref_squeeze %dma_wait3A_394 : memref<1x8x100xi32, #tpu.memory_space<vmem>> -> memref<8x100xi32, #tpu.memory_space<vmem>>
          %dma_wait3A_396 = arith.constant 0 : i32
          %dma_wait3A_397 = tpu.memref_slice %arg2[%multiple_of3A_274, %dma_wait3A_396] : memref<8192x100xi32, #tpu.memory_space<hbm>> -> memref<8x100xi32, #tpu.memory_space<hbm>>
          %dma_wait3A_398 = arith.constant 0 : i32
          %dma_wait3A_399 = arith.constant 0 : i32
          %dma_wait3A_400 = tpu.memref_slice %arg6[%sub3A_195, %dma_wait3A_398, %dma_wait3A_399] : memref<2x8x100xi32, #tpu.memory_space<vmem>> -> memref<1x8x100xi32, #tpu.memory_space<vmem>>
          %dma_wait3A_401 = tpu.memref_squeeze %dma_wait3A_400 : memref<1x8x100xi32, #tpu.memory_space<vmem>> -> memref<8x100xi32, #tpu.memory_space<vmem>>
          %dma_wait3A_402 = arith.constant 0 : i32
          %dma_wait3A_403 = tpu.memref_slice %arg2[%multiple_of3A_274, %dma_wait3A_402] : memref<8192x100xi32, #tpu.memory_space<hbm>> -> memref<8x100xi32, #tpu.memory_space<hbm>>
          tpu.wait_dma2 semaphore(%run_scoped3A_379 : memref<!tpu.dma_semaphore, #tpu.memory_space<semaphore_mem>>) src(%dma_wait3A_403 : memref<8x100xi32, #tpu.memory_space<hbm>>) dst(%dma_wait3A_401 : memref<8x100xi32, #tpu.memory_space<vmem>>)
          tpu.yield
        }) : () -> ()
        %dma_start3A_275 = arith.constant 0 : i32
        %dma_start3A_276 = arith.constant 0 : i32
        %dma_start3A_277 = arith.constant 0 : i32
        %dma_start3A_278 = tpu.memref_slice %arg7[%sub3A_195, %dma_start3A_276, %dma_start3A_277] : memref<2x800x32xf32, #tpu.memory_space<vmem>> -> memref<1x100x32xf32, #tpu.memory_space<vmem>>
        %dma_start3A_279 = tpu.memref_squeeze %dma_start3A_278 : memref<1x100x32xf32, #tpu.memory_space<vmem>> -> memref<100x32xf32, #tpu.memory_space<vmem>>
        %dma_start3A_280 = arith.constant 0 : i32
        %dma_start3A_281 = tpu.memref_slice %arg6[%sub3A_195, %dma_start3A_275, %dma_start3A_280] : memref<2x8x100xi32, #tpu.memory_space<vmem>> -> memref<1x1x100xi32, #tpu.memory_space<vmem>>
        %dma_start3A_282 = tpu.memref_squeeze %dma_start3A_281 : memref<1x1x100xi32, #tpu.memory_space<vmem>> -> memref<100xi32, #tpu.memory_space<vmem>>
        %dma_start3A_283 = arith.constant 0 : i32
        %dma_start3A_284 = arith.constant 0 : i32
        %dma_start3A_285 = tpu.memref_slice %arg3[%dma_start3A_283, %dma_start3A_284] : memref<1000000x32xf32, #tpu.memory_space<hbm>> -> memref<1000000x32xf32, #tpu.memory_space<hbm>>
        %dma_start3A_286 = tpu.memref_slice %arg9[%sub3A_195] : memref<2x!tpu.dma_semaphore, #tpu.memory_space<semaphore_mem>> -> memref<1x!tpu.dma_semaphore, #tpu.memory_space<semaphore_mem>>
        %dma_start3A_287 = tpu.memref_squeeze %dma_start3A_286 : memref<1x!tpu.dma_semaphore, #tpu.memory_space<semaphore_mem>> -> memref<!tpu.dma_semaphore, #tpu.memory_space<semaphore_mem>>
        tpu.enqueue_indirect_dma source(%dma_start3A_285 : memref<1000000x32xf32, #tpu.memory_space<hbm>>) target(%dma_start3A_279 : memref<100x32xf32, #tpu.memory_space<vmem>>) offsets(%dma_start3A_282 : memref<100xi32, #tpu.memory_space<vmem>>) semaphore(%dma_start3A_287 : memref<!tpu.dma_semaphore, #tpu.memory_space<semaphore_mem>>)
        %dma_start3A_288 = arith.constant 1 : i32
        %dma_start3A_289 = arith.constant 100 : i32
        %dma_start3A_290 = arith.constant 0 : i32
        %dma_start3A_291 = tpu.memref_slice %arg7[%sub3A_195, %dma_start3A_289, %dma_start3A_290] : memref<2x800x32xf32, #tpu.memory_space<vmem>> -> memref<1x100x32xf32, #tpu.memory_space<vmem>>
        %dma_start3A_292 = tpu.memref_squeeze %dma_start3A_291 : memref<1x100x32xf32, #tpu.memory_space<vmem>> -> memref<100x32xf32, #tpu.memory_space<vmem>>
        %dma_start3A_293 = arith.constant 0 : i32
        %dma_start3A_294 = tpu.memref_slice %arg6[%sub3A_195, %dma_start3A_288, %dma_start3A_293] : memref<2x8x100xi32, #tpu.memory_space<vmem>> -> memref<1x1x100xi32, #tpu.memory_space<vmem>>
        %dma_start3A_295 = tpu.memref_squeeze %dma_start3A_294 : memref<1x1x100xi32, #tpu.memory_space<vmem>> -> memref<100xi32, #tpu.memory_space<vmem>>
        %dma_start3A_296 = arith.constant 0 : i32
        %dma_start3A_297 = arith.constant 0 : i32
        %dma_start3A_298 = tpu.memref_slice %arg3[%dma_start3A_296, %dma_start3A_297] : memref<1000000x32xf32, #tpu.memory_space<hbm>> -> memref<1000000x32xf32, #tpu.memory_space<hbm>>
        %dma_start3A_299 = tpu.memref_slice %arg9[%sub3A_195] : memref<2x!tpu.dma_semaphore, #tpu.memory_space<semaphore_mem>> -> memref<1x!tpu.dma_semaphore, #tpu.memory_space<semaphore_mem>>
        %dma_start3A_300 = tpu.memref_squeeze %dma_start3A_299 : memref<1x!tpu.dma_semaphore, #tpu.memory_space<semaphore_mem>> -> memref<!tpu.dma_semaphore, #tpu.memory_space<semaphore_mem>>
        tpu.enqueue_indirect_dma source(%dma_start3A_298 : memref<1000000x32xf32, #tpu.memory_space<hbm>>) target(%dma_start3A_292 : memref<100x32xf32, #tpu.memory_space<vmem>>) offsets(%dma_start3A_295 : memref<100xi32, #tpu.memory_space<vmem>>) semaphore(%dma_start3A_300 : memref<!tpu.dma_semaphore, #tpu.memory_space<semaphore_mem>>)
        %dma_start3A_301 = arith.constant 2 : i32
        %dma_start3A_302 = arith.constant 200 : i32
        %dma_start3A_303 = arith.constant 0 : i32
        %dma_start3A_304 = tpu.memref_slice %arg7[%sub3A_195, %dma_start3A_302, %dma_start3A_303] : memref<2x800x32xf32, #tpu.memory_space<vmem>> -> memref<1x100x32xf32, #tpu.memory_space<vmem>>
        %dma_start3A_305 = tpu.memref_squeeze %dma_start3A_304 : memref<1x100x32xf32, #tpu.memory_space<vmem>> -> memref<100x32xf32, #tpu.memory_space<vmem>>
        %dma_start3A_306 = arith.constant 0 : i32
        %dma_start3A_307 = tpu.memref_slice %arg6[%sub3A_195, %dma_start3A_301, %dma_start3A_306] : memref<2x8x100xi32, #tpu.memory_space<vmem>> -> memref<1x1x100xi32, #tpu.memory_space<vmem>>
        %dma_start3A_308 = tpu.memref_squeeze %dma_start3A_307 : memref<1x1x100xi32, #tpu.memory_space<vmem>> -> memref<100xi32, #tpu.memory_space<vmem>>
        %dma_start3A_309 = arith.constant 0 : i32
        %dma_start3A_310 = arith.constant 0 : i32
        %dma_start3A_311 = tpu.memref_slice %arg3[%dma_start3A_309, %dma_start3A_310] : memref<1000000x32xf32, #tpu.memory_space<hbm>> -> memref<1000000x32xf32, #tpu.memory_space<hbm>>
        %dma_start3A_312 = tpu.memref_slice %arg9[%sub3A_195] : memref<2x!tpu.dma_semaphore, #tpu.memory_space<semaphore_mem>> -> memref<1x!tpu.dma_semaphore, #tpu.memory_space<semaphore_mem>>
        %dma_start3A_313 = tpu.memref_squeeze %dma_start3A_312 : memref<1x!tpu.dma_semaphore, #tpu.memory_space<semaphore_mem>> -> memref<!tpu.dma_semaphore, #tpu.memory_space<semaphore_mem>>
        tpu.enqueue_indirect_dma source(%dma_start3A_311 : memref<1000000x32xf32, #tpu.memory_space<hbm>>) target(%dma_start3A_305 : memref<100x32xf32, #tpu.memory_space<vmem>>) offsets(%dma_start3A_308 : memref<100xi32, #tpu.memory_space<vmem>>) semaphore(%dma_start3A_313 : memref<!tpu.dma_semaphore, #tpu.memory_space<semaphore_mem>>)
        %dma_start3A_314 = arith.constant 3 : i32
        %dma_start3A_315 = arith.constant 300 : i32
        %dma_start3A_316 = arith.constant 0 : i32
        %dma_start3A_317 = tpu.memref_slice %arg7[%sub3A_195, %dma_start3A_315, %dma_start3A_316] : memref<2x800x32xf32, #tpu.memory_space<vmem>> -> memref<1x100x32xf32, #tpu.memory_space<vmem>>
        %dma_start3A_318 = tpu.memref_squeeze %dma_start3A_317 : memref<1x100x32xf32, #tpu.memory_space<vmem>> -> memref<100x32xf32, #tpu.memory_space<vmem>>
        %dma_start3A_319 = arith.constant 0 : i32
        %dma_start3A_320 = tpu.memref_slice %arg6[%sub3A_195, %dma_start3A_314, %dma_start3A_319] : memref<2x8x100xi32, #tpu.memory_space<vmem>> -> memref<1x1x100xi32, #tpu.memory_space<vmem>>
        %dma_start3A_321 = tpu.memref_squeeze %dma_start3A_320 : memref<1x1x100xi32, #tpu.memory_space<vmem>> -> memref<100xi32, #tpu.memory_space<vmem>>
        %dma_start3A_322 = arith.constant 0 : i32
        %dma_start3A_323 = arith.constant 0 : i32
        %dma_start3A_324 = tpu.memref_slice %arg3[%dma_start3A_322, %dma_start3A_323] : memref<1000000x32xf32, #tpu.memory_space<hbm>> -> memref<1000000x32xf32, #tpu.memory_space<hbm>>
        %dma_start3A_325 = tpu.memref_slice %arg9[%sub3A_195] : memref<2x!tpu.dma_semaphore, #tpu.memory_space<semaphore_mem>> -> memref<1x!tpu.dma_semaphore, #tpu.memory_space<semaphore_mem>>
        %dma_start3A_326 = tpu.memref_squeeze %dma_start3A_325 : memref<1x!tpu.dma_semaphore, #tpu.memory_space<semaphore_mem>> -> memref<!tpu.dma_semaphore, #tpu.memory_space<semaphore_mem>>
        tpu.enqueue_indirect_dma source(%dma_start3A_324 : memref<1000000x32xf32, #tpu.memory_space<hbm>>) target(%dma_start3A_318 : memref<100x32xf32, #tpu.memory_space<vmem>>) offsets(%dma_start3A_321 : memref<100xi32, #tpu.memory_space<vmem>>) semaphore(%dma_start3A_326 : memref<!tpu.dma_semaphore, #tpu.memory_space<semaphore_mem>>)
        %dma_start3A_327 = arith.constant 4 : i32
        %dma_start3A_328 = arith.constant 400 : i32
        %dma_start3A_329 = arith.constant 0 : i32
        %dma_start3A_330 = tpu.memref_slice %arg7[%sub3A_195, %dma_start3A_328, %dma_start3A_329] : memref<2x800x32xf32, #tpu.memory_space<vmem>> -> memref<1x100x32xf32, #tpu.memory_space<vmem>>
        %dma_start3A_331 = tpu.memref_squeeze %dma_start3A_330 : memref<1x100x32xf32, #tpu.memory_space<vmem>> -> memref<100x32xf32, #tpu.memory_space<vmem>>
        %dma_start3A_332 = arith.constant 0 : i32
        %dma_start3A_333 = tpu.memref_slice %arg6[%sub3A_195, %dma_start3A_327, %dma_start3A_332] : memref<2x8x100xi32, #tpu.memory_space<vmem>> -> memref<1x1x100xi32, #tpu.memory_space<vmem>>
        %dma_start3A_334 = tpu.memref_squeeze %dma_start3A_333 : memref<1x1x100xi32, #tpu.memory_space<vmem>> -> memref<100xi32, #tpu.memory_space<vmem>>
        %dma_start3A_335 = arith.constant 0 : i32
        %dma_start3A_336 = arith.constant 0 : i32
        %dma_start3A_337 = tpu.memref_slice %arg3[%dma_start3A_335, %dma_start3A_336] : memref<1000000x32xf32, #tpu.memory_space<hbm>> -> memref<1000000x32xf32, #tpu.memory_space<hbm>>
        %dma_start3A_338 = tpu.memref_slice %arg9[%sub3A_195] : memref<2x!tpu.dma_semaphore, #tpu.memory_space<semaphore_mem>> -> memref<1x!tpu.dma_semaphore, #tpu.memory_space<semaphore_mem>>
        %dma_start3A_339 = tpu.memref_squeeze %dma_start3A_338 : memref<1x!tpu.dma_semaphore, #tpu.memory_space<semaphore_mem>> -> memref<!tpu.dma_semaphore, #tpu.memory_space<semaphore_mem>>
        tpu.enqueue_indirect_dma source(%dma_start3A_337 : memref<1000000x32xf32, #tpu.memory_space<hbm>>) target(%dma_start3A_331 : memref<100x32xf32, #tpu.memory_space<vmem>>) offsets(%dma_start3A_334 : memref<100xi32, #tpu.memory_space<vmem>>) semaphore(%dma_start3A_339 : memref<!tpu.dma_semaphore, #tpu.memory_space<semaphore_mem>>)
        %dma_start3A_340 = arith.constant 5 : i32
        %dma_start3A_341 = arith.constant 500 : i32
        %dma_start3A_342 = arith.constant 0 : i32
        %dma_start3A_343 = tpu.memref_slice %arg7[%sub3A_195, %dma_start3A_341, %dma_start3A_342] : memref<2x800x32xf32, #tpu.memory_space<vmem>> -> memref<1x100x32xf32, #tpu.memory_space<vmem>>
        %dma_start3A_344 = tpu.memref_squeeze %dma_start3A_343 : memref<1x100x32xf32, #tpu.memory_space<vmem>> -> memref<100x32xf32, #tpu.memory_space<vmem>>
        %dma_start3A_345 = arith.constant 0 : i32
        %dma_start3A_346 = tpu.memref_slice %arg6[%sub3A_195, %dma_start3A_340, %dma_start3A_345] : memref<2x8x100xi32, #tpu.memory_space<vmem>> -> memref<1x1x100xi32, #tpu.memory_space<vmem>>
        %dma_start3A_347 = tpu.memref_squeeze %dma_start3A_346 : memref<1x1x100xi32, #tpu.memory_space<vmem>> -> memref<100xi32, #tpu.memory_space<vmem>>
        %dma_start3A_348 = arith.constant 0 : i32
        %dma_start3A_349 = arith.constant 0 : i32
        %dma_start3A_350 = tpu.memref_slice %arg3[%dma_start3A_348, %dma_start3A_349] : memref<1000000x32xf32, #tpu.memory_space<hbm>> -> memref<1000000x32xf32, #tpu.memory_space<hbm>>
        %dma_start3A_351 = tpu.memref_slice %arg9[%sub3A_195] : memref<2x!tpu.dma_semaphore, #tpu.memory_space<semaphore_mem>> -> memref<1x!tpu.dma_semaphore, #tpu.memory_space<semaphore_mem>>
        %dma_start3A_352 = tpu.memref_squeeze %dma_start3A_351 : memref<1x!tpu.dma_semaphore, #tpu.memory_space<semaphore_mem>> -> memref<!tpu.dma_semaphore, #tpu.memory_space<semaphore_mem>>
        tpu.enqueue_indirect_dma source(%dma_start3A_350 : memref<1000000x32xf32, #tpu.memory_space<hbm>>) target(%dma_start3A_344 : memref<100x32xf32, #tpu.memory_space<vmem>>) offsets(%dma_start3A_347 : memref<100xi32, #tpu.memory_space<vmem>>) semaphore(%dma_start3A_352 : memref<!tpu.dma_semaphore, #tpu.memory_space<semaphore_mem>>)
        %dma_start3A_353 = arith.constant 6 : i32
        %dma_start3A_354 = arith.constant 600 : i32
        %dma_start3A_355 = arith.constant 0 : i32
        %dma_start3A_356 = tpu.memref_slice %arg7[%sub3A_195, %dma_start3A_354, %dma_start3A_355] : memref<2x800x32xf32, #tpu.memory_space<vmem>> -> memref<1x100x32xf32, #tpu.memory_space<vmem>>
        %dma_start3A_357 = tpu.memref_squeeze %dma_start3A_356 : memref<1x100x32xf32, #tpu.memory_space<vmem>> -> memref<100x32xf32, #tpu.memory_space<vmem>>
        %dma_start3A_358 = arith.constant 0 : i32
        %dma_start3A_359 = tpu.memref_slice %arg6[%sub3A_195, %dma_start3A_353, %dma_start3A_358] : memref<2x8x100xi32, #tpu.memory_space<vmem>> -> memref<1x1x100xi32, #tpu.memory_space<vmem>>
        %dma_start3A_360 = tpu.memref_squeeze %dma_start3A_359 : memref<1x1x100xi32, #tpu.memory_space<vmem>> -> memref<100xi32, #tpu.memory_space<vmem>>
        %dma_start3A_361 = arith.constant 0 : i32
        %dma_start3A_362 = arith.constant 0 : i32
        %dma_start3A_363 = tpu.memref_slice %arg3[%dma_start3A_361, %dma_start3A_362] : memref<1000000x32xf32, #tpu.memory_space<hbm>> -> memref<1000000x32xf32, #tpu.memory_space<hbm>>
        %dma_start3A_364 = tpu.memref_slice %arg9[%sub3A_195] : memref<2x!tpu.dma_semaphore, #tpu.memory_space<semaphore_mem>> -> memref<1x!tpu.dma_semaphore, #tpu.memory_space<semaphore_mem>>
        %dma_start3A_365 = tpu.memref_squeeze %dma_start3A_364 : memref<1x!tpu.dma_semaphore, #tpu.memory_space<semaphore_mem>> -> memref<!tpu.dma_semaphore, #tpu.memory_space<semaphore_mem>>
        tpu.enqueue_indirect_dma source(%dma_start3A_363 : memref<1000000x32xf32, #tpu.memory_space<hbm>>) target(%dma_start3A_357 : memref<100x32xf32, #tpu.memory_space<vmem>>) offsets(%dma_start3A_360 : memref<100xi32, #tpu.memory_space<vmem>>) semaphore(%dma_start3A_365 : memref<!tpu.dma_semaphore, #tpu.memory_space<semaphore_mem>>)
        %dma_start3A_366 = arith.constant 7 : i32
        %dma_start3A_367 = arith.constant 700 : i32
        %dma_start3A_368 = arith.constant 0 : i32
        %dma_start3A_369 = tpu.memref_slice %arg7[%sub3A_195, %dma_start3A_367, %dma_start3A_368] : memref<2x800x32xf32, #tpu.memory_space<vmem>> -> memref<1x100x32xf32, #tpu.memory_space<vmem>>
        %dma_start3A_370 = tpu.memref_squeeze %dma_start3A_369 : memref<1x100x32xf32, #tpu.memory_space<vmem>> -> memref<100x32xf32, #tpu.memory_space<vmem>>
        %dma_start3A_371 = arith.constant 0 : i32
        %dma_start3A_372 = tpu.memref_slice %arg6[%sub3A_195, %dma_start3A_366, %dma_start3A_371] : memref<2x8x100xi32, #tpu.memory_space<vmem>> -> memref<1x1x100xi32, #tpu.memory_space<vmem>>
        %dma_start3A_373 = tpu.memref_squeeze %dma_start3A_372 : memref<1x1x100xi32, #tpu.memory_space<vmem>> -> memref<100xi32, #tpu.memory_space<vmem>>
        %dma_start3A_374 = arith.constant 0 : i32
        %dma_start3A_375 = arith.constant 0 : i32
        %dma_start3A_376 = tpu.memref_slice %arg3[%dma_start3A_374, %dma_start3A_375] : memref<1000000x32xf32, #tpu.memory_space<hbm>> -> memref<1000000x32xf32, #tpu.memory_space<hbm>>
        %dma_start3A_377 = tpu.memref_slice %arg9[%sub3A_195] : memref<2x!tpu.dma_semaphore, #tpu.memory_space<semaphore_mem>> -> memref<1x!tpu.dma_semaphore, #tpu.memory_space<semaphore_mem>>
        %dma_start3A_378 = tpu.memref_squeeze %dma_start3A_377 : memref<1x!tpu.dma_semaphore, #tpu.memory_space<semaphore_mem>> -> memref<!tpu.dma_semaphore, #tpu.memory_space<semaphore_mem>>
        tpu.enqueue_indirect_dma source(%dma_start3A_376 : memref<1000000x32xf32, #tpu.memory_space<hbm>>) target(%dma_start3A_370 : memref<100x32xf32, #tpu.memory_space<vmem>>) offsets(%dma_start3A_373 : memref<100xi32, #tpu.memory_space<vmem>>) semaphore(%dma_start3A_378 : memref<!tpu.dma_semaphore, #tpu.memory_space<semaphore_mem>>)
      } else {
      }
      %dma_wait3A_200 = arith.constant 0 : i32
      %dma_wait3A_201 = arith.constant 0 : i32
      %dma_wait3A_202 = tpu.memref_slice %arg7[%rem3A_193, %dma_wait3A_200, %dma_wait3A_201] : memref<2x800x32xf32, #tpu.memory_space<vmem>> -> memref<1x800x32xf32, #tpu.memory_space<vmem>>
      %dma_wait3A_203 = tpu.memref_squeeze %dma_wait3A_202 : memref<1x800x32xf32, #tpu.memory_space<vmem>> -> memref<800x32xf32, #tpu.memory_space<vmem>>
      %dma_wait3A_204 = arith.constant 0 : i32
      %dma_wait3A_205 = arith.constant 0 : i32
      %dma_wait3A_206 = tpu.memref_slice %arg5[%dma_wait3A_204, %dma_wait3A_205] : memref<819200x32xf32, #tpu.memory_space<hbm>> -> memref<800x32xf32, #tpu.memory_space<hbm>>
      %dma_wait3A_207 = tpu.memref_slice %arg9[%rem3A_193] : memref<2x!tpu.dma_semaphore, #tpu.memory_space<semaphore_mem>> -> memref<1x!tpu.dma_semaphore, #tpu.memory_space<semaphore_mem>>
      %dma_wait3A_208 = tpu.memref_squeeze %dma_wait3A_207 : memref<1x!tpu.dma_semaphore, #tpu.memory_space<semaphore_mem>> -> memref<!tpu.dma_semaphore, #tpu.memory_space<semaphore_mem>>
      %dma_wait3A_209 = arith.constant 0 : i32
      %dma_wait3A_210 = arith.constant 0 : i32
      %dma_wait3A_211 = tpu.memref_slice %arg7[%rem3A_193, %dma_wait3A_209, %dma_wait3A_210] : memref<2x800x32xf32, #tpu.memory_space<vmem>> -> memref<1x800x32xf32, #tpu.memory_space<vmem>>
      %dma_wait3A_212 = tpu.memref_squeeze %dma_wait3A_211 : memref<1x800x32xf32, #tpu.memory_space<vmem>> -> memref<800x32xf32, #tpu.memory_space<vmem>>
      %dma_wait3A_213 = arith.constant 0 : i32
      %dma_wait3A_214 = arith.constant 0 : i32
      %dma_wait3A_215 = tpu.memref_slice %arg5[%dma_wait3A_213, %dma_wait3A_214] : memref<819200x32xf32, #tpu.memory_space<hbm>> -> memref<800x32xf32, #tpu.memory_space<hbm>>
      tpu.wait_dma2 semaphore(%dma_wait3A_208 : memref<!tpu.dma_semaphore, #tpu.memory_space<semaphore_mem>>) src(%dma_wait3A_215 : memref<800x32xf32, #tpu.memory_space<hbm>>) dst(%dma_wait3A_212 : memref<800x32xf32, #tpu.memory_space<vmem>>)
      %scan3A_216 = arith.constant 0 : i32
      %scan3A_217 = arith.constant 0 : i32
      %scan3A_218 = arith.constant 200 : i32
      %scan3A_219 = arith.addi %scan3A_217, %scan3A_218 : i32
      %scan3A_220 = arith.constant 2 : i32
      scf.for %scan3A_240 = %scan3A_217 to %scan3A_219 step %scan3A_220  : i32 {
        %get3A = arith.index_cast %scan3A_240 : i32 to index
        %get3A_241 = arith.constant 0 : index
        %get3A_242 = tpu.vector_load %arg8[%get3A, %get3A_241] {strides = array<i32>} : memref<200x32xf32, #tpu.memory_space<vmem>>, vector<1x16xf32>,
        %get3A_243 = vector.shape_cast %get3A_242 : vector<1x16xf32> to vector<16xf32>
        %get3A_244 = arith.index_cast %scan3A_240 : i32 to index
        %get3A_245 = arith.constant 16 : index
        %get3A_246 = tpu.vector_load %arg8[%get3A_244, %get3A_245] {strides = array<i32>} : memref<200x32xf32, #tpu.memory_space<vmem>>, vector<1x16xf32>,
        %get3A_247 = vector.shape_cast %get3A_246 : vector<1x16xf32> to vector<16xf32>
        %add3A_248 = arith.constant 0 : i32
        %add3A_249 = arith.addi %add3A_248, %scan3A_240 : i32
        %get3A_250 = arith.index_cast %rem3A_193 : i32 to index
        %get3A_251 = arith.index_cast %add3A_249 : i32 to index
        %get3A_252 = arith.constant 0 : index
        %get3A_253 = tpu.vector_load %arg7[%get3A_250, %get3A_251, %get3A_252] {strides = array<i32>} : memref<2x800x32xf32, #tpu.memory_space<vmem>>, vector<1x1x16xf32>,
        %get3A_254 = vector.shape_cast %get3A_253 : vector<1x1x16xf32> to vector<16xf32>
        %add3A_255 = arith.addf %get3A_254, %get3A_243 : vector<16xf32>
        %swap3A = arith.index_cast %rem3A_193 : i32 to index
        %swap3A_256 = arith.index_cast %add3A_249 : i32 to index
        %swap3A_257 = arith.constant 0 : index
        %swap3A_258 = tpu.vector_load %arg7[%swap3A, %swap3A_256, %swap3A_257] {strides = array<i32>} : memref<2x800x32xf32, #tpu.memory_space<vmem>>, vector<1x1x16xf32>,
        %swap3A_259 = vector.shape_cast %swap3A_258 : vector<1x1x16xf32> to vector<16xf32>
        %swap3A_260 = vector.shape_cast %add3A_255 : vector<16xf32> to vector<1x1x16xf32>
        tpu.vector_store %arg7[%swap3A, %swap3A_256, %swap3A_257], %swap3A_260 {strides = array<i32>} : memref<2x800x32xf32, #tpu.memory_space<vmem>>, vector<1x1x16xf32>,
        %get3A_261 = arith.index_cast %rem3A_193 : i32 to index
        %get3A_262 = arith.index_cast %add3A_249 : i32 to index
        %get3A_263 = arith.constant 16 : index
        %get3A_264 = tpu.vector_load %arg7[%get3A_261, %get3A_262, %get3A_263] {strides = array<i32>} : memref<2x800x32xf32, #tpu.memory_space<vmem>>, vector<1x1x16xf32>,
        %get3A_265 = vector.shape_cast %get3A_264 : vector<1x1x16xf32> to vector<16xf32>
        %add3A_266 = arith.addf %get3A_265, %get3A_247 : vector<16xf32>
        %swap3A_267 = arith.index_cast %rem3A_193 : i32 to index
        %swap3A_268 = arith.index_cast %add3A_249 : i32 to index
        %swap3A_269 = arith.constant 16 : index
        %swap3A_270 = tpu.vector_load %arg7[%swap3A_267, %swap3A_268, %swap3A_269] {strides = array<i32>} : memref<2x800x32xf32, #tpu.memory_space<vmem>>, vector<1x1x16xf32>,
        %swap3A_271 = vector.shape_cast %swap3A_270 : vector<1x1x16xf32> to vector<16xf32>
        %swap3A_272 = vector.shape_cast %add3A_266 : vector<16xf32> to vector<1x1x16xf32>
        tpu.vector_store %arg7[%swap3A_267, %swap3A_268, %swap3A_269], %swap3A_272 {strides = array<i32>} : memref<2x800x32xf32, #tpu.memory_space<vmem>>, vector<1x1x16xf32>,
        %add3A_273 = arith.constant 200 : i32
        %add3A_274 = arith.addi %add3A_273, %scan3A_240 : i32
        %get3A_275 = arith.index_cast %rem3A_193 : i32 to index
        %get3A_276 = arith.index_cast %add3A_274 : i32 to index
        %get3A_277 = arith.constant 0 : index
        %get3A_278 = tpu.vector_load %arg7[%get3A_275, %get3A_276, %get3A_277] {strides = array<i32>} : memref<2x800x32xf32, #tpu.memory_space<vmem>>, vector<1x1x16xf32>,
        %get3A_279 = vector.shape_cast %get3A_278 : vector<1x1x16xf32> to vector<16xf32>
        %add3A_280 = arith.addf %get3A_279, %get3A_243 : vector<16xf32>
        %swap3A_281 = arith.index_cast %rem3A_193 : i32 to index
        %swap3A_282 = arith.index_cast %add3A_274 : i32 to index
        %swap3A_283 = arith.constant 0 : index
        %swap3A_284 = tpu.vector_load %arg7[%swap3A_281, %swap3A_282, %swap3A_283] {strides = array<i32>} : memref<2x800x32xf32, #tpu.memory_space<vmem>>, vector<1x1x16xf32>,
        %swap3A_285 = vector.shape_cast %swap3A_284 : vector<1x1x16xf32> to vector<16xf32>
        %swap3A_286 = vector.shape_cast %add3A_280 : vector<16xf32> to vector<1x1x16xf32>
        tpu.vector_store %arg7[%swap3A_281, %swap3A_282, %swap3A_283], %swap3A_286 {strides = array<i32>} : memref<2x800x32xf32, #tpu.memory_space<vmem>>, vector<1x1x16xf32>,
        %get3A_287 = arith.index_cast %rem3A_193 : i32 to index
        %get3A_288 = arith.index_cast %add3A_274 : i32 to index
        %get3A_289 = arith.constant 16 : index
        %get3A_290 = tpu.vector_load %arg7[%get3A_287, %get3A_288, %get3A_289] {strides = array<i32>} : memref<2x800x32xf32, #tpu.memory_space<vmem>>, vector<1x1x16xf32>,
        %get3A_291 = vector.shape_cast %get3A_290 : vector<1x1x16xf32> to vector<16xf32>
        %add3A_292 = arith.addf %get3A_291, %get3A_247 : vector<16xf32>
        %swap3A_293 = arith.index_cast %rem3A_193 : i32 to index
        %swap3A_294 = arith.index_cast %add3A_274 : i32 to index
        %swap3A_295 = arith.constant 16 : index
        %swap3A_296 = tpu.vector_load %arg7[%swap3A_293, %swap3A_294, %swap3A_295] {strides = array<i32>} : memref<2x800x32xf32, #tpu.memory_space<vmem>>, vector<1x1x16xf32>,
        %swap3A_297 = vector.shape_cast %swap3A_296 : vector<1x1x16xf32> to vector<16xf32>
        %swap3A_298 = vector.shape_cast %add3A_292 : vector<16xf32> to vector<1x1x16xf32>
        tpu.vector_store %arg7[%swap3A_293, %swap3A_294, %swap3A_295], %swap3A_298 {strides = array<i32>} : memref<2x800x32xf32, #tpu.memory_space<vmem>>, vector<1x1x16xf32>,
        %add3A_299 = arith.constant 400 : i32
        %add3A_300 = arith.addi %add3A_299, %scan3A_240 : i32
        %get3A_301 = arith.index_cast %rem3A_193 : i32 to index
        %get3A_302 = arith.index_cast %add3A_300 : i32 to index
        %get3A_303 = arith.constant 0 : index
        %get3A_304 = tpu.vector_load %arg7[%get3A_301, %get3A_302, %get3A_303] {strides = array<i32>} : memref<2x800x32xf32, #tpu.memory_space<vmem>>, vector<1x1x16xf32>,
        %get3A_305 = vector.shape_cast %get3A_304 : vector<1x1x16xf32> to vector<16xf32>
        %add3A_306 = arith.addf %get3A_305, %get3A_243 : vector<16xf32>
        %swap3A_307 = arith.index_cast %rem3A_193 : i32 to index
        %swap3A_308 = arith.index_cast %add3A_300 : i32 to index
        %swap3A_309 = arith.constant 0 : index
        %swap3A_310 = tpu.vector_load %arg7[%swap3A_307, %swap3A_308, %swap3A_309] {strides = array<i32>} : memref<2x800x32xf32, #tpu.memory_space<vmem>>, vector<1x1x16xf32>,
        %swap3A_311 = vector.shape_cast %swap3A_310 : vector<1x1x16xf32> to vector<16xf32>
        %swap3A_312 = vector.shape_cast %add3A_306 : vector<16xf32> to vector<1x1x16xf32>
        tpu.vector_store %arg7[%swap3A_307, %swap3A_308, %swap3A_309], %swap3A_312 {strides = array<i32>} : memref<2x800x32xf32, #tpu.memory_space<vmem>>, vector<1x1x16xf32>,
        %get3A_313 = arith.index_cast %rem3A_193 : i32 to index
        %get3A_314 = arith.index_cast %add3A_300 : i32 to index
        %get3A_315 = arith.constant 16 : index
        %get3A_316 = tpu.vector_load %arg7[%get3A_313, %get3A_314, %get3A_315] {strides = array<i32>} : memref<2x800x32xf32, #tpu.memory_space<vmem>>, vector<1x1x16xf32>,
        %get3A_317 = vector.shape_cast %get3A_316 : vector<1x1x16xf32> to vector<16xf32>
        %add3A_318 = arith.addf %get3A_317, %get3A_247 : vector<16xf32>
        %swap3A_319 = arith.index_cast %rem3A_193 : i32 to index
        %swap3A_320 = arith.index_cast %add3A_300 : i32 to index
        %swap3A_321 = arith.constant 16 : index
        %swap3A_322 = tpu.vector_load %arg7[%swap3A_319, %swap3A_320, %swap3A_321] {strides = array<i32>} : memref<2x800x32xf32, #tpu.memory_space<vmem>>, vector<1x1x16xf32>,
        %swap3A_323 = vector.shape_cast %swap3A_322 : vector<1x1x16xf32> to vector<16xf32>
        %swap3A_324 = vector.shape_cast %add3A_318 : vector<16xf32> to vector<1x1x16xf32>
        tpu.vector_store %arg7[%swap3A_319, %swap3A_320, %swap3A_321], %swap3A_324 {strides = array<i32>} : memref<2x800x32xf32, #tpu.memory_space<vmem>>, vector<1x1x16xf32>,
        %add3A_325 = arith.constant 600 : i32
        %add3A_326 = arith.addi %add3A_325, %scan3A_240 : i32
        %get3A_327 = arith.index_cast %rem3A_193 : i32 to index
        %get3A_328 = arith.index_cast %add3A_326 : i32 to index
        %get3A_329 = arith.constant 0 : index
        %get3A_330 = tpu.vector_load %arg7[%get3A_327, %get3A_328, %get3A_329] {strides = array<i32>} : memref<2x800x32xf32, #tpu.memory_space<vmem>>, vector<1x1x16xf32>,
        %get3A_331 = vector.shape_cast %get3A_330 : vector<1x1x16xf32> to vector<16xf32>
        %add3A_332 = arith.addf %get3A_331, %get3A_243 : vector<16xf32>
        %swap3A_333 = arith.index_cast %rem3A_193 : i32 to index
        %swap3A_334 = arith.index_cast %add3A_326 : i32 to index
        %swap3A_335 = arith.constant 0 : index
        %swap3A_336 = tpu.vector_load %arg7[%swap3A_333, %swap3A_334, %swap3A_335] {strides = array<i32>} : memref<2x800x32xf32, #tpu.memory_space<vmem>>, vector<1x1x16xf32>,
        %swap3A_337 = vector.shape_cast %swap3A_336 : vector<1x1x16xf32> to vector<16xf32>
        %swap3A_338 = vector.shape_cast %add3A_332 : vector<16xf32> to vector<1x1x16xf32>
        tpu.vector_store %arg7[%swap3A_333, %swap3A_334, %swap3A_335], %swap3A_338 {strides = array<i32>} : memref<2x800x32xf32, #tpu.memory_space<vmem>>, vector<1x1x16xf32>,
        %get3A_339 = arith.index_cast %rem3A_193 : i32 to index
        %get3A_340 = arith.index_cast %add3A_326 : i32 to index
        %get3A_341 = arith.constant 16 : index
        %get3A_342 = tpu.vector_load %arg7[%get3A_339, %get3A_340, %get3A_341] {strides = array<i32>} : memref<2x800x32xf32, #tpu.memory_space<vmem>>, vector<1x1x16xf32>,
        %get3A_343 = vector.shape_cast %get3A_342 : vector<1x1x16xf32> to vector<16xf32>
        %add3A_344 = arith.addf %get3A_343, %get3A_247 : vector<16xf32>
        %swap3A_345 = arith.index_cast %rem3A_193 : i32 to index
        %swap3A_346 = arith.index_cast %add3A_326 : i32 to index
        %swap3A_347 = arith.constant 16 : index
        %swap3A_348 = tpu.vector_load %arg7[%swap3A_345, %swap3A_346, %swap3A_347] {strides = array<i32>} : memref<2x800x32xf32, #tpu.memory_space<vmem>>, vector<1x1x16xf32>,
        %swap3A_349 = vector.shape_cast %swap3A_348 : vector<1x1x16xf32> to vector<16xf32>
        %swap3A_350 = vector.shape_cast %add3A_344 : vector<16xf32> to vector<1x1x16xf32>
        tpu.vector_store %arg7[%swap3A_345, %swap3A_346, %swap3A_347], %swap3A_350 {strides = array<i32>} : memref<2x800x32xf32, #tpu.memory_space<vmem>>, vector<1x1x16xf32>,
        %scan3A_351 = arith.constant 1 : i32
        %scan3A_352 = arith.addi %scan3A_240, %scan3A_351 : i32
        %get3A_353 = arith.index_cast %scan3A_352 : i32 to index
        %get3A_354 = arith.constant 0 : index
        %get3A_355 = tpu.vector_load %arg8[%get3A_353, %get3A_354] {strides = array<i32>} : memref<200x32xf32, #tpu.memory_space<vmem>>, vector<1x16xf32>,
        %get3A_356 = vector.shape_cast %get3A_355 : vector<1x16xf32> to vector<16xf32>
        %get3A_357 = arith.index_cast %scan3A_352 : i32 to index
        %get3A_358 = arith.constant 16 : index
        %get3A_359 = tpu.vector_load %arg8[%get3A_357, %get3A_358] {strides = array<i32>} : memref<200x32xf32, #tpu.memory_space<vmem>>, vector<1x16xf32>,
        %get3A_360 = vector.shape_cast %get3A_359 : vector<1x16xf32> to vector<16xf32>
        %add3A_361 = arith.constant 0 : i32
        %add3A_362 = arith.addi %add3A_361, %scan3A_352 : i32
        %get3A_363 = arith.index_cast %rem3A_193 : i32 to index
        %get3A_364 = arith.index_cast %add3A_362 : i32 to index
        %get3A_365 = arith.constant 0 : index
        %get3A_366 = tpu.vector_load %arg7[%get3A_363, %get3A_364, %get3A_365] {strides = array<i32>} : memref<2x800x32xf32, #tpu.memory_space<vmem>>, vector<1x1x16xf32>,
        %get3A_367 = vector.shape_cast %get3A_366 : vector<1x1x16xf32> to vector<16xf32>
        %add3A_368 = arith.addf %get3A_367, %get3A_356 : vector<16xf32>
        %swap3A_369 = arith.index_cast %rem3A_193 : i32 to index
        %swap3A_370 = arith.index_cast %add3A_362 : i32 to index
        %swap3A_371 = arith.constant 0 : index
        %swap3A_372 = tpu.vector_load %arg7[%swap3A_369, %swap3A_370, %swap3A_371] {strides = array<i32>} : memref<2x800x32xf32, #tpu.memory_space<vmem>>, vector<1x1x16xf32>,
        %swap3A_373 = vector.shape_cast %swap3A_372 : vector<1x1x16xf32> to vector<16xf32>
        %swap3A_374 = vector.shape_cast %add3A_368 : vector<16xf32> to vector<1x1x16xf32>
        tpu.vector_store %arg7[%swap3A_369, %swap3A_370, %swap3A_371], %swap3A_374 {strides = array<i32>} : memref<2x800x32xf32, #tpu.memory_space<vmem>>, vector<1x1x16xf32>,
        %get3A_375 = arith.index_cast %rem3A_193 : i32 to index
        %get3A_376 = arith.index_cast %add3A_362 : i32 to index
        %get3A_377 = arith.constant 16 : index
        %get3A_378 = tpu.vector_load %arg7[%get3A_375, %get3A_376, %get3A_377] {strides = array<i32>} : memref<2x800x32xf32, #tpu.memory_space<vmem>>, vector<1x1x16xf32>,
        %get3A_379 = vector.shape_cast %get3A_378 : vector<1x1x16xf32> to vector<16xf32>
        %add3A_380 = arith.addf %get3A_379, %get3A_360 : vector<16xf32>
        %swap3A_381 = arith.index_cast %rem3A_193 : i32 to index
        %swap3A_382 = arith.index_cast %add3A_362 : i32 to index
        %swap3A_383 = arith.constant 16 : index
        %swap3A_384 = tpu.vector_load %arg7[%swap3A_381, %swap3A_382, %swap3A_383] {strides = array<i32>} : memref<2x800x32xf32, #tpu.memory_space<vmem>>, vector<1x1x16xf32>,
        %swap3A_385 = vector.shape_cast %swap3A_384 : vector<1x1x16xf32> to vector<16xf32>
        %swap3A_386 = vector.shape_cast %add3A_380 : vector<16xf32> to vector<1x1x16xf32>
        tpu.vector_store %arg7[%swap3A_381, %swap3A_382, %swap3A_383], %swap3A_386 {strides = array<i32>} : memref<2x800x32xf32, #tpu.memory_space<vmem>>, vector<1x1x16xf32>,
        %add3A_387 = arith.constant 200 : i32
        %add3A_388 = arith.addi %add3A_387, %scan3A_352 : i32
        %get3A_389 = arith.index_cast %rem3A_193 : i32 to index
        %get3A_390 = arith.index_cast %add3A_388 : i32 to index
        %get3A_391 = arith.constant 0 : index
        %get3A_392 = tpu.vector_load %arg7[%get3A_389, %get3A_390, %get3A_391] {strides = array<i32>} : memref<2x800x32xf32, #tpu.memory_space<vmem>>, vector<1x1x16xf32>,
        %get3A_393 = vector.shape_cast %get3A_392 : vector<1x1x16xf32> to vector<16xf32>
        %add3A_394 = arith.addf %get3A_393, %get3A_356 : vector<16xf32>
        %swap3A_395 = arith.index_cast %rem3A_193 : i32 to index
        %swap3A_396 = arith.index_cast %add3A_388 : i32 to index
        %swap3A_397 = arith.constant 0 : index
        %swap3A_398 = tpu.vector_load %arg7[%swap3A_395, %swap3A_396, %swap3A_397] {strides = array<i32>} : memref<2x800x32xf32, #tpu.memory_space<vmem>>, vector<1x1x16xf32>,
        %swap3A_399 = vector.shape_cast %swap3A_398 : vector<1x1x16xf32> to vector<16xf32>
        %swap3A_400 = vector.shape_cast %add3A_394 : vector<16xf32> to vector<1x1x16xf32>
        tpu.vector_store %arg7[%swap3A_395, %swap3A_396, %swap3A_397], %swap3A_400 {strides = array<i32>} : memref<2x800x32xf32, #tpu.memory_space<vmem>>, vector<1x1x16xf32>,
        %get3A_401 = arith.index_cast %rem3A_193 : i32 to index
        %get3A_402 = arith.index_cast %add3A_388 : i32 to index
        %get3A_403 = arith.constant 16 : index
        %get3A_404 = tpu.vector_load %arg7[%get3A_401, %get3A_402, %get3A_403] {strides = array<i32>} : memref<2x800x32xf32, #tpu.memory_space<vmem>>, vector<1x1x16xf32>,
        %get3A_405 = vector.shape_cast %get3A_404 : vector<1x1x16xf32> to vector<16xf32>
        %add3A_406 = arith.addf %get3A_405, %get3A_360 : vector<16xf32>
        %swap3A_407 = arith.index_cast %rem3A_193 : i32 to index
        %swap3A_408 = arith.index_cast %add3A_388 : i32 to index
        %swap3A_409 = arith.constant 16 : index
        %swap3A_410 = tpu.vector_load %arg7[%swap3A_407, %swap3A_408, %swap3A_409] {strides = array<i32>} : memref<2x800x32xf32, #tpu.memory_space<vmem>>, vector<1x1x16xf32>,
        %swap3A_411 = vector.shape_cast %swap3A_410 : vector<1x1x16xf32> to vector<16xf32>
        %swap3A_412 = vector.shape_cast %add3A_406 : vector<16xf32> to vector<1x1x16xf32>
        tpu.vector_store %arg7[%swap3A_407, %swap3A_408, %swap3A_409], %swap3A_412 {strides = array<i32>} : memref<2x800x32xf32, #tpu.memory_space<vmem>>, vector<1x1x16xf32>,
        %add3A_413 = arith.constant 400 : i32
        %add3A_414 = arith.addi %add3A_413, %scan3A_352 : i32
        %get3A_415 = arith.index_cast %rem3A_193 : i32 to index
        %get3A_416 = arith.index_cast %add3A_414 : i32 to index
        %get3A_417 = arith.constant 0 : index
        %get3A_418 = tpu.vector_load %arg7[%get3A_415, %get3A_416, %get3A_417] {strides = array<i32>} : memref<2x800x32xf32, #tpu.memory_space<vmem>>, vector<1x1x16xf32>,
        %get3A_419 = vector.shape_cast %get3A_418 : vector<1x1x16xf32> to vector<16xf32>
        %add3A_420 = arith.addf %get3A_419, %get3A_356 : vector<16xf32>
        %swap3A_421 = arith.index_cast %rem3A_193 : i32 to index
        %swap3A_422 = arith.index_cast %add3A_414 : i32 to index
        %swap3A_423 = arith.constant 0 : index
        %swap3A_424 = tpu.vector_load %arg7[%swap3A_421, %swap3A_422, %swap3A_423] {strides = array<i32>} : memref<2x800x32xf32, #tpu.memory_space<vmem>>, vector<1x1x16xf32>,
        %swap3A_425 = vector.shape_cast %swap3A_424 : vector<1x1x16xf32> to vector<16xf32>
        %swap3A_426 = vector.shape_cast %add3A_420 : vector<16xf32> to vector<1x1x16xf32>
        tpu.vector_store %arg7[%swap3A_421, %swap3A_422, %swap3A_423], %swap3A_426 {strides = array<i32>} : memref<2x800x32xf32, #tpu.memory_space<vmem>>, vector<1x1x16xf32>,
        %get3A_427 = arith.index_cast %rem3A_193 : i32 to index
        %get3A_428 = arith.index_cast %add3A_414 : i32 to index
        %get3A_429 = arith.constant 16 : index
        %get3A_430 = tpu.vector_load %arg7[%get3A_427, %get3A_428, %get3A_429] {strides = array<i32>} : memref<2x800x32xf32, #tpu.memory_space<vmem>>, vector<1x1x16xf32>,
        %get3A_431 = vector.shape_cast %get3A_430 : vector<1x1x16xf32> to vector<16xf32>
        %add3A_432 = arith.addf %get3A_431, %get3A_360 : vector<16xf32>
        %swap3A_433 = arith.index_cast %rem3A_193 : i32 to index
        %swap3A_434 = arith.index_cast %add3A_414 : i32 to index
        %swap3A_435 = arith.constant 16 : index
        %swap3A_436 = tpu.vector_load %arg7[%swap3A_433, %swap3A_434, %swap3A_435] {strides = array<i32>} : memref<2x800x32xf32, #tpu.memory_space<vmem>>, vector<1x1x16xf32>,
        %swap3A_437 = vector.shape_cast %swap3A_436 : vector<1x1x16xf32> to vector<16xf32>
        %swap3A_438 = vector.shape_cast %add3A_432 : vector<16xf32> to vector<1x1x16xf32>
        tpu.vector_store %arg7[%swap3A_433, %swap3A_434, %swap3A_435], %swap3A_438 {strides = array<i32>} : memref<2x800x32xf32, #tpu.memory_space<vmem>>, vector<1x1x16xf32>,
        %add3A_439 = arith.constant 600 : i32
        %add3A_440 = arith.addi %add3A_439, %scan3A_352 : i32
        %get3A_441 = arith.index_cast %rem3A_193 : i32 to index
        %get3A_442 = arith.index_cast %add3A_440 : i32 to index
        %get3A_443 = arith.constant 0 : index
        %get3A_444 = tpu.vector_load %arg7[%get3A_441, %get3A_442, %get3A_443] {strides = array<i32>} : memref<2x800x32xf32, #tpu.memory_space<vmem>>, vector<1x1x16xf32>,
        %get3A_445 = vector.shape_cast %get3A_444 : vector<1x1x16xf32> to vector<16xf32>
        %add3A_446 = arith.addf %get3A_445, %get3A_356 : vector<16xf32>
        %swap3A_447 = arith.index_cast %rem3A_193 : i32 to index
        %swap3A_448 = arith.index_cast %add3A_440 : i32 to index
        %swap3A_449 = arith.constant 0 : index
        %swap3A_450 = tpu.vector_load %arg7[%swap3A_447, %swap3A_448, %swap3A_449] {strides = array<i32>} : memref<2x800x32xf32, #tpu.memory_space<vmem>>, vector<1x1x16xf32>,
        %swap3A_451 = vector.shape_cast %swap3A_450 : vector<1x1x16xf32> to vector<16xf32>
        %swap3A_452 = vector.shape_cast %add3A_446 : vector<16xf32> to vector<1x1x16xf32>
        tpu.vector_store %arg7[%swap3A_447, %swap3A_448, %swap3A_449], %swap3A_452 {strides = array<i32>} : memref<2x800x32xf32, #tpu.memory_space<vmem>>, vector<1x1x16xf32>,
        %get3A_453 = arith.index_cast %rem3A_193 : i32 to index
        %get3A_454 = arith.index_cast %add3A_440 : i32 to index
        %get3A_455 = arith.constant 16 : index
        %get3A_456 = tpu.vector_load %arg7[%get3A_453, %get3A_454, %get3A_455] {strides = array<i32>} : memref<2x800x32xf32, #tpu.memory_space<vmem>>, vector<1x1x16xf32>,
        %get3A_457 = vector.shape_cast %get3A_456 : vector<1x1x16xf32> to vector<16xf32>
        %add3A_458 = arith.addf %get3A_457, %get3A_360 : vector<16xf32>
        %swap3A_459 = arith.index_cast %rem3A_193 : i32 to index
        %swap3A_460 = arith.index_cast %add3A_440 : i32 to index
        %swap3A_461 = arith.constant 16 : index
        %swap3A_462 = tpu.vector_load %arg7[%swap3A_459, %swap3A_460, %swap3A_461] {strides = array<i32>} : memref<2x800x32xf32, #tpu.memory_space<vmem>>, vector<1x1x16xf32>,
        %swap3A_463 = vector.shape_cast %swap3A_462 : vector<1x1x16xf32> to vector<16xf32>
        %swap3A_464 = vector.shape_cast %add3A_458 : vector<16xf32> to vector<1x1x16xf32>
        tpu.vector_store %arg7[%swap3A_459, %swap3A_460, %swap3A_461], %swap3A_464 {strides = array<i32>} : memref<2x800x32xf32, #tpu.memory_space<vmem>>, vector<1x1x16xf32>,
      }
      %scan3A_221 = arith.constant 200 : i32
      %mul3A_222 = arith.constant 800 : i32
      %mul3A_223 = arith.muli %scan3A_191, %mul3A_222 : i32
      %add3A_224 = arith.addi %mul3A_2, %mul3A_223 : i32
      %multiple_of3A_225 = tpu.assume_multiple %add3A_224, 800 : i32
      %dma_start3A_226 = arith.constant 0 : i32
      %dma_start3A_227 = arith.constant 0 : i32
      %dma_start3A_228 = tpu.memref_slice %arg7[%rem3A_193, %dma_start3A_226, %dma_start3A_227] : memref<2x800x32xf32, #tpu.memory_space<vmem>> -> memref<1x800x32xf32, #tpu.memory_space<vmem>>
      %dma_start3A_229 = tpu.memref_squeeze %dma_start3A_228 : memref<1x800x32xf32, #tpu.memory_space<vmem>> -> memref<800x32xf32, #tpu.memory_space<vmem>>
      %dma_start3A_230 = arith.constant 0 : i32
      %dma_start3A_231 = tpu.memref_slice %arg5[%multiple_of3A_225, %dma_start3A_230] : memref<819200x32xf32, #tpu.memory_space<hbm>> -> memref<800x32xf32, #tpu.memory_space<hbm>>
      %dma_start3A_232 = tpu.memref_slice %arg10[%rem3A_193] : memref<2x!tpu.dma_semaphore, #tpu.memory_space<semaphore_mem>> -> memref<1x!tpu.dma_semaphore, #tpu.memory_space<semaphore_mem>>
      %dma_start3A_233 = tpu.memref_squeeze %dma_start3A_232 : memref<1x!tpu.dma_semaphore, #tpu.memory_space<semaphore_mem>> -> memref<!tpu.dma_semaphore, #tpu.memory_space<semaphore_mem>>
      %dma_start3A_234 = arith.constant 0 : i32
      %dma_start3A_235 = tpu.memref_slice %arg5[%multiple_of3A_225, %dma_start3A_234] : memref<819200x32xf32, #tpu.memory_space<hbm>> -> memref<800x32xf32, #tpu.memory_space<hbm>>
      %dma_start3A_236 = arith.constant 0 : i32
      %dma_start3A_237 = arith.constant 0 : i32
      %dma_start3A_238 = tpu.memref_slice %arg7[%rem3A_193, %dma_start3A_236, %dma_start3A_237] : memref<2x800x32xf32, #tpu.memory_space<vmem>> -> memref<1x800x32xf32, #tpu.memory_space<vmem>>
      %dma_start3A_239 = tpu.memref_squeeze %dma_start3A_238 : memref<1x800x32xf32, #tpu.memory_space<vmem>> -> memref<800x32xf32, #tpu.memory_space<vmem>>
      tpu.enqueue_dma source(%dma_start3A_239 : memref<800x32xf32, #tpu.memory_space<vmem>>) target(%dma_start3A_235 : memref<800x32xf32, #tpu.memory_space<hbm>>) target_semaphore(%dma_start3A_233 : memref<!tpu.dma_semaphore, #tpu.memory_space<semaphore_mem>>)
    }
    %scan3A_153 = arith.constant 32 : i32
    %add3A_154 = arith.constant 24000 : i32
    %add3A_155 = arith.addi %mul3A_2, %add3A_154 : i32
    %multiple_of3A_156 = tpu.assume_multiple %add3A_155, 800 : i32
    %dma_wait3A = arith.constant 0 : i32
    %dma_wait3A_157 = arith.constant 0 : i32
    %dma_wait3A_158 = arith.constant 0 : i32
    %dma_wait3A_159 = arith.constant 0 : i32
    %dma_wait3A_160 = tpu.memref_slice %arg7[%dma_wait3A, %dma_wait3A_158, %dma_wait3A_159] : memref<2x800x32xf32, #tpu.memory_space<vmem>> -> memref<1x800x32xf32, #tpu.memory_space<vmem>>
    %dma_wait3A_161 = tpu.memref_squeeze %dma_wait3A_160 : memref<1x800x32xf32, #tpu.memory_space<vmem>> -> memref<800x32xf32, #tpu.memory_space<vmem>>
    %dma_wait3A_162 = arith.constant 0 : i32
    %dma_wait3A_163 = tpu.memref_slice %arg5[%multiple_of3A_156, %dma_wait3A_162] : memref<819200x32xf32, #tpu.memory_space<hbm>> -> memref<800x32xf32, #tpu.memory_space<hbm>>
    %dma_wait3A_164 = tpu.memref_slice %arg10[%dma_wait3A_157] : memref<2x!tpu.dma_semaphore, #tpu.memory_space<semaphore_mem>> -> memref<1x!tpu.dma_semaphore, #tpu.memory_space<semaphore_mem>>
    %dma_wait3A_165 = tpu.memref_squeeze %dma_wait3A_164 : memref<1x!tpu.dma_semaphore, #tpu.memory_space<semaphore_mem>> -> memref<!tpu.dma_semaphore, #tpu.memory_space<semaphore_mem>>
    %dma_wait3A_166 = arith.constant 0 : i32
    %dma_wait3A_167 = tpu.memref_slice %arg5[%multiple_of3A_156, %dma_wait3A_166] : memref<819200x32xf32, #tpu.memory_space<hbm>> -> memref<800x32xf32, #tpu.memory_space<hbm>>
    %dma_wait3A_168 = arith.constant 0 : i32
    %dma_wait3A_169 = arith.constant 0 : i32
    %dma_wait3A_170 = tpu.memref_slice %arg7[%dma_wait3A, %dma_wait3A_168, %dma_wait3A_169] : memref<2x800x32xf32, #tpu.memory_space<vmem>> -> memref<1x800x32xf32, #tpu.memory_space<vmem>>
    %dma_wait3A_171 = tpu.memref_squeeze %dma_wait3A_170 : memref<1x800x32xf32, #tpu.memory_space<vmem>> -> memref<800x32xf32, #tpu.memory_space<vmem>>
    tpu.wait_dma2 semaphore(%dma_wait3A_165 : memref<!tpu.dma_semaphore, #tpu.memory_space<semaphore_mem>>) src(%dma_wait3A_171 : memref<800x32xf32, #tpu.memory_space<vmem>>) dst(%dma_wait3A_167 : memref<800x32xf32, #tpu.memory_space<hbm>>)
    %add3A_172 = arith.constant 24800 : i32
    %add3A_173 = arith.addi %mul3A_2, %add3A_172 : i32
    %multiple_of3A_174 = tpu.assume_multiple %add3A_173, 800 : i32
    %dma_wait3A_175 = arith.constant 1 : i32
    %dma_wait3A_176 = arith.constant 1 : i32
    %dma_wait3A_177 = arith.constant 0 : i32
    %dma_wait3A_178 = arith.constant 0 : i32
    %dma_wait3A_179 = tpu.memref_slice %arg7[%dma_wait3A_175, %dma_wait3A_177, %dma_wait3A_178] : memref<2x800x32xf32, #tpu.memory_space<vmem>> -> memref<1x800x32xf32, #tpu.memory_space<vmem>>
    %dma_wait3A_180 = tpu.memref_squeeze %dma_wait3A_179 : memref<1x800x32xf32, #tpu.memory_space<vmem>> -> memref<800x32xf32, #tpu.memory_space<vmem>>
    %dma_wait3A_181 = arith.constant 0 : i32
    %dma_wait3A_182 = tpu.memref_slice %arg5[%multiple_of3A_174, %dma_wait3A_181] : memref<819200x32xf32, #tpu.memory_space<hbm>> -> memref<800x32xf32, #tpu.memory_space<hbm>>
    %dma_wait3A_183 = tpu.memref_slice %arg10[%dma_wait3A_176] : memref<2x!tpu.dma_semaphore, #tpu.memory_space<semaphore_mem>> -> memref<1x!tpu.dma_semaphore, #tpu.memory_space<semaphore_mem>>
    %dma_wait3A_184 = tpu.memref_squeeze %dma_wait3A_183 : memref<1x!tpu.dma_semaphore, #tpu.memory_space<semaphore_mem>> -> memref<!tpu.dma_semaphore, #tpu.memory_space<semaphore_mem>>
    %dma_wait3A_185 = arith.constant 0 : i32
    %dma_wait3A_186 = tpu.memref_slice %arg5[%multiple_of3A_174, %dma_wait3A_185] : memref<819200x32xf32, #tpu.memory_space<hbm>> -> memref<800x32xf32, #tpu.memory_space<hbm>>
    %dma_wait3A_187 = arith.constant 0 : i32
    %dma_wait3A_188 = arith.constant 0 : i32
    %dma_wait3A_189 = tpu.memref_slice %arg7[%dma_wait3A_175, %dma_wait3A_187, %dma_wait3A_188] : memref<2x800x32xf32, #tpu.memory_space<vmem>> -> memref<1x800x32xf32, #tpu.memory_space<vmem>>
    %dma_wait3A_190 = tpu.memref_squeeze %dma_wait3A_189 : memref<1x800x32xf32, #tpu.memory_space<vmem>> -> memref<800x32xf32, #tpu.memory_space<vmem>>
    tpu.wait_dma2 semaphore(%dma_wait3A_184 : memref<!tpu.dma_semaphore, #tpu.memory_space<semaphore_mem>>) src(%dma_wait3A_190 : memref<800x32xf32, #tpu.memory_space<vmem>>) dst(%dma_wait3A_186 : memref<800x32xf32, #tpu.memory_space<hbm>>)
    return
  }
}

</mosaic_0001>

<sc_bundles>
// kernel: kernel.3.cloned.1.call-start
scs
__scs_entry_jumppad:
0x0: {  	(pc) =	sbr.rel $0x88, $3  }
0x1: {  	(tag) =	ssettag $0x0;
	lr =	simm.s32 $0x1  }
0x2: {  	[smem:$0x3F9E] =	sst lr;
	_ =	strace $0xD0000000  }
0x3: {  	_ = 	snop  }
0x4: {  	_ = 	snop  }
0x5: {  	_ = 	snop  }
0x6: {  	_ = 	snop  }
0x7: {  	_ = 	snop  }
__scs_overlays_trampoline_lowered:
0x8: {  	[smem:$0x3FAD] =	sst s0  }
0x9: {  	[smem:$0x3FAE] =	sst s1  }
0xa: {  	[smem:$0x3FAF] =	sst s2  }
0xb: {  	[smem:$0x3FB0] =	sst s3  }
0xc: {  	[smem:$0x3FB1] =	sst s4  }
0xd: {  	[smem:$0x3FB2] =	sst s5  }
0xe: {  	[smem:$0x3FB3] =	sst s6  }
0xf: {  	[smem:$0x3FB4] =	sst s7  }
0x10: {  	[smem:$0x3FB5] =	sst s8  }
0x11: {  	[smem:$0x3FB6] =	sst s9;
	s0 =	simm.s32 @!p0 $0x0  }
0x12: {  	s1 =	sld [smem:$0x3F9C];
	s0 =	simm.s32 @p0 $0x1  }
0x13: {  	[smem:$0x3FB7] =	sst s0;
	s0 =	simm.s32 @!p1 $0x0  }
0x14: {  	s2 =	sld [smem:$0x3F9B];
	s0 =	simm.s32 @p1 $0x1  }
0x15: {  	[smem:$0x3FB8] =	sst s0;
	s0 =	simm.s32 @!p2 $0x0  }
0x16: {  	s3 =	sld [smem:$0x3FDB];
	s0 =	simm.s32 @p2 $0x1  }
0x17: {  	s4 =	simm.s32 $0x1BF5;
	[smem:$0x3FBA] =	sst s0  }
0x18: {  	s0 =	sld [smem:$0x3F9D];
	_ =	swait.ge [sflag:s4], $0x0  }
0x19: {  	s7 =	sld [smem:$0x3F9E]  }
0x1a: {  	s8 =	sadd.s32 $0xFFFFE003, lr  }
0x1b: {  	s9 =	sadd.s32 $0xFFFFFEF7, lr;
	s5 =	simm.s32 $0xFFFFFFFF;
	p2 =	slt.u32 s8, $0xFFFFF086  }
0x1c: {  	p1 =	slt.u32 s9, $0xF7A;
	s5 =	simm.s32 @!p2 $0x0  }
0x1d: {  	s5 =	simm.s32 @p1 $0x1;
	p0 =	seq.s32 s7, s2  }
0x1e: {  	s7 =	smul.u32 @!p0 $0xF7A, s2;
	p2 =	seq.s32 @!p0 s5, $0x0  }
0x1f: {  	s9 =	smul.u32 $0xF7A, s1;
	s8 =	simm.s32 @!p0 $0x1BF5;
	p2 =	por !p2, p0  }
0x20: {  	[sflag:s8] =	ssyncset.s32 @!p0 $0xFFFFF086;
	s6 =	sadd.s32 @!p0 s3, s7;
	s7 =	simm.s32 @!p0 $0x108  }
0x21: {  	s3 =	sadd.s32 s3, s9;
	s6 =	sadd.s32 @!p0 $0x88, s6;
	s7 =	simm.s32 @p2 $0x1082  }
0x22: {  	[simem:s7], [sflag:s8] =	dma.local @!p0 [hbm:s6], $0xF7A  }
0x23: {  	s9 =	sor.u32 $0xD0000000, s2;
	s6 =	simm.s32 $0x108;
	_ =	swait.ge @!p0 [sflag:s8], $0x0  }
0x24: {  	s3 =	sadd.s32 $0x88, s3;
	s6 =	simm.s32 @!p1 $0x1082;
	[sflag:s4] =	ssyncset.s32 $0xFFFFF086  }
0x25: {  	[simem:s6], [sflag:s4] =	dma.local [hbm:s3], $0xF7A  }
0x26: {  	[smem:$0x3F9E] =	sst s1;
	(tag) =	ssettag s2;
	_ =	strace s9  }
0x27: {  	s1 =	sld [smem:$0x3FAE]  }
0x28: {  	s2 =	sld [smem:$0x3FAF]  }
0x29: {  	s4 =	sld [smem:$0x3FB1]  }
0x2a: {  	p0 =	seq.s32 s5, $0x0;
	s5 =	sld [smem:$0x3FB2]  }
0x2b: {  	s6 =	sld [smem:$0x3FB3]  }
0x2c: {  	s7 =	sld [smem:$0x3FB4]  }
0x2d: {  	s3 =	simm.s32 $0x108;
	s8 =	sld [smem:$0x3FB5]  }
0x2e: {  	s3 =	simm.s32 @!p0 $0x1082;
	s9 =	sld [smem:$0x3FB6]  }
0x2f: {  	lr =	sadd.s32 s0, s3;
	s0 =	sld [smem:$0x3FAD]  }
0x30: {  	s3 =	sld [smem:$0x3FB0]  }
0x31: {  	[smem:$0x3FB9] =	sst s10  }
0x32: {  	s10 =	sld [smem:$0x3FB7];
	_ =	sdelay $0x3  }
0x33: {  	p0 =	seq.s32 s10, $0x1;
	s10 =	sld [smem:$0x3FB9];
	_ =	sdelay $0x3  }
0x34: {  	[smem:$0x3FB9] =	sst s10  }
0x35: {  	s10 =	sld [smem:$0x3FB8];
	_ =	sdelay $0x3  }
0x36: {  	p1 =	seq.s32 s10, $0x1;
	s10 =	sld [smem:$0x3FB9];
	_ =	sdelay $0x3  }
0x37: {  	[smem:$0x3FB9] =	sst s10  }
0x38: {  	s10 =	sld [smem:$0x3FBA]  }
0x39: {  	_ = 	snop;
	(pc) =	sbr.ind lr, $3  }
0x3a: {  	_ = 	snop  }
0x3b: {  	_ = 	snop  }
0x3c: {  	p2 =	seq.s32 s10, $0x1;
	s10 =	sld [smem:$0x3FB9]  }
0x3d: {  	_ =	shalt  }
0x3e: {  	_ =	shalt  }
0x3f: {  	_ =	shalt  }
0x40: {  	_ =	shalt  }
0x41: {  	_ =	shalt  }
0x42: {  	_ =	shalt  }
0x43: {  	_ =	shalt  }
0x44: {  	_ =	shalt  }
0x45: {  	_ =	shalt  }
0x46: {  	_ =	shalt  }
0x47: {  	_ =	shalt  }
0x48: {  	_ =	shalt  }
0x49: {  	_ =	shalt  }
0x4a: {  	_ =	shalt  }
0x4b: {  	_ =	shalt  }
0x4c: {  	_ =	shalt  }
0x4d: {  	_ =	shalt  }
0x4e: {  	_ =	shalt  }
0x4f: {  	_ =	shalt  }
0x50: {  	_ =	shalt  }
0x51: {  	_ =	shalt  }
0x52: {  	_ =	shalt  }
0x53: {  	_ =	shalt  }
0x54: {  	_ =	shalt  }
0x55: {  	_ =	shalt  }
0x56: {  	_ =	shalt  }
0x57: {  	_ =	shalt  }
0x58: {  	_ =	shalt  }
0x59: {  	_ =	shalt  }
0x5a: {  	_ =	shalt  }
0x5b: {  	_ =	shalt  }
0x5c: {  	_ =	shalt  }
0x5d: {  	_ =	shalt  }
0x5e: {  	_ =	shalt  }
0x5f: {  	_ =	shalt  }
0x60: {  	_ =	shalt  }
0x61: {  	_ =	shalt  }
0x62: {  	_ =	shalt  }
0x63: {  	_ =	shalt  }
0x64: {  	_ =	shalt  }
0x65: {  	_ =	shalt  }
0x66: {  	_ =	shalt  }
0x67: {  	_ =	shalt  }
0x68: {  	_ =	shalt  }
0x69: {  	_ =	shalt  }
0x6a: {  	_ =	shalt  }
0x6b: {  	_ =	shalt  }
0x6c: {  	_ =	shalt  }
0x6d: {  	_ =	shalt  }
0x6e: {  	_ =	shalt  }
0x6f: {  	_ =	shalt  }
0x70: {  	_ =	shalt  }
0x71: {  	_ =	shalt  }
0x72: {  	_ =	shalt  }
0x73: {  	_ =	shalt  }
0x74: {  	_ =	shalt  }
0x75: {  	_ =	shalt  }
0x76: {  	_ =	shalt  }
0x77: {  	_ =	shalt  }
0x78: {  	_ =	shalt  }
0x79: {  	_ =	shalt  }
0x7a: {  	_ =	shalt  }
0x7b: {  	_ =	shalt  }
0x7c: {  	_ =	shalt  }
0x7d: {  	_ =	shalt  }
0x7e: {  	_ =	shalt  }
0x7f: {  	_ =	shalt  }
0x80: {  	_ =	shalt  }
0x81: {  	_ =	shalt  }
0x82: {  	_ =	shalt  }
0x83: {  	_ =	shalt  }
0x84: {  	_ =	shalt  }
0x85: {  	_ =	shalt  }
0x86: {  	_ =	shalt  }
0x87: {  	_ =	shalt  }
.Lfunc_end0:
.L_simem_size_0:
called_computation.1_lowered:
.L_overlay_start_0:
0x88: {  	s2 =	sld [smem:$0x3FD9]  }
0x89: {  	s3 =	sld [smem:$0x3FFE];
	_ =	sdelay $0x1  }
0x8a: {  	s1 =	srdreg.scid  }
0x8b: {  	s0 =	sand.u32 $0x1, s1  }
0x8c: {  	s17 =	sshll.u32 s0, $0xA;
	s2 =	sadd.s32 s3, s2  }
0x8d: {  	s2 =	sadd.s32 s2, s17  }
0x8e: {  	[smem:$0x3FC5] =	sst s2  }
0x8f: {  	_ = 	snop  }
0x90: {  	s2 =	sld [smem:$0x3FD0];
	(tm) =	ssettm $0x1  }
0x91: {  	s18 =	sld [smem:$0x3FFB];
	_ =	sdelay $0x3  }
0x92: {  	_ =	strace s18  }
0x93: {  	s3 =	sld [smem:$0x3FFC];
	_ =	sdelay $0x3  }
0x94: {  	_ =	strace s3  }
0x95: {  	s3 =	sld [smem:$0x3FFD];
	_ =	sdelay $0x3  }
0x96: {  	_ =	strace s3  }
0x97: {  	_ =	strace $0x8FFFFFFF  }
0x98: {  	s19 =	sld [smem:$0x3FDB];
	_ =	sdelay $0x1  }
0x99: {  	s4 =	simm.s32 $_scs_section_size  }
0x9a: {  	s5 =	simm.s32 $_size__tile_overlayer_lowered;
	s6 =	simm.s32 $_tile_overlayer_lowered  }
0x9b: {  	s22 =	simm.s32 $0x1BFF;
	s21 =	sshll.u32 s6, $0x1;
	s3 =	sadd.s32 s4, s19  }
0x9c: {  	s7 =	simm.s32 $0x0;
	s20 =	sshll.u32 s5, $0x1;
	s5 =	sadd.s32 s21, s3  }
0x9d: {  	[timem:s7], [sflag:s22] =	dma.local [hbm:s5], s20  }
0x9e: {  	_ =	swait.ge [sflag:s22], s20  }
0x9f: {  	s4 =	ssub.s32 $0x0, s20;
	[sflag:s22] =	ssyncset.done $0x0  }
0xa0: {  	[sflag:s22] =	ssyncadd.s32 s4;
	_ =	sdelay $0x1  }
0xa1: {  	s23 =	simm.s32 $0x1B8B  }
0xa2: {  	_ =	swait.ge [sflag:s23], $0x1  }
0xa3: {  	[sflag:s23] =	ssyncset.done $0x0  }
0xa4: {  	s25 =	simm.s32 $0x1B8E;
	s24 =	sld [smem:$0x3FFE];
	[sflag:s23] =	ssyncadd.s32 $0xFFFFFFFF  }
0xa5: {  	s26 =	simm.s32 $execute0_lowered;
	[smem:$0x3FD2] =	sst s25  }
0xa6: {  	s5 =	sshll.u32 s26, $0x1;
	_ =	strace $0x80000046;
	[dreg:$0x1] =	wrdreg $0xFFFFFFFF  }
0xa7: {  	s28 =	simm.s32 $_size_execute0_lowered;
	s3 =	sadd.s32 s3, s5;
	[dreg:$0x0] =	wrdreg $0x0  }
0xa8: {  	s5 =	sshll.u32 s28, $0x1;
	[dreg:$0x2] =	wrdreg s3  }
0xa9: {  	[dreg:$0x3] =	wrdreg s5  }
0xaa: {  	[dreg:$0x4] =	wrdreg $0xC0  }
0xab: {  	_ =	task [dreg:s7], $0x5FFFF  }
0xac: {  	[dreg:$0x1] =	wrdreg $0xFFFFFFFF  }
0xad: {  	[dreg:$0x0] =	wrdreg $0x60  }
0xae: {  	[dreg:$0x2] =	wrdreg s24  }
0xaf: {  	[dreg:$0x3] =	wrdreg s2  }
0xb0: {  	[dreg:$0x4] =	wrdreg $0x9  }
0xb1: {  	_ =	task.clear_ibuf [dreg:s7], $0x5FFFF;
	_ =	strace $0x90000046  }
0xb2: {  	s29 =	simm.s32 $0x9;
	_ =	strace $0x80000048  }
0xb3: {  	_ =	swait.ge [sflag:s29], $0x1  }
0xb4: {  	[sflag:s29] =	ssyncadd.s32 $0xFFFFFFFF  }
0xb5: {  	_ =	strace $0x90000048  }
0xb6: {  	_ =	sfence  }
0xb7: {  	s30 =	sld [smem:$0x0];
	_ =	sdelay $0x2  }
0xb8: {  	s31 =	sshll.u32 s1, $0xD;
	s1 =	sshrl.u32 s1, $0x2  }
0xb9: {  	s3 =	sand.u32 $0x4000, s31;
	s1 =	sadd.s32 s1, s30  }
0xba: {  	s0 =	sor.u32 s3, s0;
	s1 =	sshll.u32 s1, $0x11  }
0xbb: {  	s0 =	sor.u32 s1, s0  }
0xbc: {  	s0 =	sadd.s32 $0x8F2B, s0  }
0xbd: {  	[sflag:s0] =	ssyncadd.remote.s32 $0x1  }
0xbe: {  	_ =	sfence.sel $0xFFFF  }
0xbf: {  	[dreg:$0x0] =	wrdreg $0xFFFFFFFF;
	(pc) =	sbr.abs _section_cstart, $3  }
0xc0: {  	[dreg:$0x1] =	wrdreg $0xFFFFFFFF  }
0xc1: {  	_ =	task.clear_ibuf [dreg:s7], $0x2FFFF;
	_ =	strace $0x9FFFFFFF  }
0xc2: {  	(tm) =	ssettm $0x7FFFFFFF  }
0xc3: {  	_ =	shalt  }
tec
execute0_lowered:
.L_overlay_start_1:
0x0: {  	(tag) =	ssettag $0x1  }
0x1: {  	s0 =	rddreg [dreg:$0x0]  }
0x2: {  	s2 =	rddreg [dreg:$0x1]  }
0x3: {  	s3 =	simm.s32 $0x0;
	s1 =	srdreg.scid;
	s4 =	stileid.u32  }
0x4: {  	s11 =	simm.s32 $0x5;
	s12 =	simm.s32 $0x64;
	s18 =	simm.s32 $0x138  }
0x5: {  	s19 =	simm.s32 $0x2C00;
	s20 =	simm.s32 $0x1A0;
	s21 =	simm.s32 $0x3880  }
0x6: {  	s22 =	simm.s32 $0x208;
	s23 =	simm.s32 $0x4500;
	s24 =	simm.s32 $0x270  }
0x7: {  	s25 =	simm.s32 $0x5180;
	s28 =	simm.s32 $0x5E00;
	s29 =	simm.s32 $0x3  }
0x8: {  	s30 =	simm.s32 $0x4;
	s31 =	simm.s32 $0x0;
	[smem:$0x7FF] =	sst s3  }
0x9: {  	s1 =	sand.u32 $0x1, s1;
	s4 =	sshll.u32 s4, $0x1;
	s5 =	sadd.s32 $0xF43000, s0  }
0xa: {  	s6 =	sadd.s32 $0x1AC00, s0;
	s7 =	ssub.s32 $0x2, s1;
	s1 =	sor.u32 s1, s4  }
0xb: {  	_ =	strace $0x80000047;
	s8 =	sshrl.u32 s7, $0x1;
	s9 =	smul.u32 $0xD00, s1  }
0xc: {  	s4 =	sadd.s32 $0xC00, s0;
	s26 =	ssub.s32 s7, s8;
	s7 =	smul.u32 $0x6400, s1  }
0xd: {  	s8 =	sadd.s32 s4, s9;
	s9 =	smax.u32 s26, $0x1;
	s26 =	simm.s32 $0x2D8  }
.LBB2_1:
0xe: {  	s0 =	simm.s32 $0xCE80  }
0xf: {  	[tilespmem:s0], [sflag:$0x5] =	stream.linear.gather [hbm4b:s6+s3], $0x1900, $0x38;
	[tilespmem:$0xE780] =	vst v63  }
0x10: {  	_ =	swait.ge [sflag:s11], $0x1900  }
0x11: {  	[sflag:s11] =	ssyncset.done $0x0  }
0x12: {  	[sflag:s11] =	ssyncadd.s32 $0xFFFFE700  }
0x13: {  	[tilespmem:s3], [sflag:$0x5] =	stream.linear.gather [hbm4b:s8+s3], $0x340, $0x38;
	[tilespmem:$0xE780] =	vst v63  }
0x14: {  	_ =	swait.ge [sflag:s11], $0x340  }
0x15: {  	[sflag:s11] =	ssyncset.done $0x0  }
0x16: {  	s14 =	simm.s32 $0x680;
	[sflag:s11] =	ssyncadd.s32 $0xFFFFFCC0  }
0x17: {  	[tilespmem:s14], [sflag:$0x1] =	stream.indirect.gather [hbm4b:s5+s12], $0x20, s3, s12, $0xb8;
	[tilespmem:$0xE780] =	vst v63  }
0x18: {  	s15 =	simm.s32 $0x68;
	s1 =	simm.s32 $0x1300  }
0x19: {  	[tilespmem:s1], [sflag:$0x1] =	stream.indirect.gather [hbm4b:s5+s12], $0x20, s15, s12, $0xb8;
	[tilespmem:$0xE780] =	vst v63  }
0x1a: {  	s16 =	simm.s32 $0xD0;
	s17 =	simm.s32 $0x1F80  }
0x1b: {  	[tilespmem:s17], [sflag:$0x1] =	stream.indirect.gather [hbm4b:s5+s12], $0x20, s16, s12, $0xb8;
	[tilespmem:$0xE780] =	vst v63  }
0x1c: {  	_ = 	snop  }
0x1d: {  	[tilespmem:s19], [sflag:$0x1] =	stream.indirect.gather [hbm4b:s5+s12], $0x20, s18, s12, $0xb8;
	[tilespmem:$0xE780] =	vst v63  }
0x1e: {  	_ = 	snop  }
0x1f: {  	[tilespmem:s21], [sflag:$0x1] =	stream.indirect.gather [hbm4b:s5+s12], $0x20, s20, s12, $0xb8;
	[tilespmem:$0xE780] =	vst v63  }
0x20: {  	_ = 	snop  }
0x21: {  	[tilespmem:s23], [sflag:$0x1] =	stream.indirect.gather [hbm4b:s5+s12], $0x20, s22, s12, $0xb8;
	[tilespmem:$0xE780] =	vst v63  }
0x22: {  	_ = 	snop  }
0x23: {  	[tilespmem:s25], [sflag:$0x1] =	stream.indirect.gather [hbm4b:s5+s12], $0x20, s24, s12, $0xb8;
	[tilespmem:$0xE780] =	vst v63  }
0x24: {  	p0 =	por $0x0, $0x0;
	s0 =	simm.s32 $0x0  }
0x25: {  	[tilespmem:s28], [sflag:$0x1] =	stream.indirect.gather [hbm4b:s5+s12], $0x20, s26, s12, $0xb8;
	[tilespmem:$0xE780] =	vst v63  }
.LBB2_2:
0x26: {  	p1 =	seq.s32 s0, $0x0  }
.Ltmp0:
0x27: {  	_ = 	snop;
	(pc) =	sbr.rel @p1 .LBB2_5-.Ltmp0, $3  }
0x28: {  	_ =	sdelay $0x1  }
0x29: {  	s1 =	sand.u32 $0x1, s0  }
0x2a: {  	s10 =	sadd.s32 $0x1, s0;
	s13 =	sxor.u32 $0x1, s1  }
0x2b: {  	p1 =	seq.s32 s0, $0x1F  }
.Ltmp1:
0x2c: {  	_ = 	snop;
	(pc) =	sbr.rel @p1 .LBB2_6-.Ltmp1, $1  }
0x2d: {  	_ =	sdelay $0x3  }
0x2e: {  	s14 =	sadd.s32 $0x3, s13  }
0x2f: {  	_ =	swait.ge [sflag:s14], $0x6400  }
0x30: {  	[sflag:s14] =	ssyncset.done $0x0  }
0x31: {  	[sflag:s14] =	ssyncadd.s32 $0xFFFF9C00  }
.LBB2_5:
0x32: {  	s14 =	smul.u32 $0x320, s10;
	_ =	sdelay $0x1  }
0x33: {  	s14 =	sadd.s32 s7, s14  }
0x34: {  	s14 =	smulhi.u32 $0x51EB851F, s14;
	_ =	sdelay $0x1  }
0x35: {  	s15 =	smul.u32 $0xD00, s13;
	s14 =	sshrl.u32 s14, $0x5  }
0x36: {  	s14 =	smul.u32 $0xD, s14;
	_ =	sdelay $0x1  }
0x37: {  	s17 =	smul.u32 $0x19000, s13;
	s15 =	sshrl.u32 s15, $0x2;
	s14 =	sadd.s32 s4, s14  }
0x38: {  	[tilespmem:s15], [sflag:$0x5] =	stream.linear.gather [hbm4b:s14+s3], $0x340, $0x38;
	[tilespmem:$0xE780] =	vst v63  }
0x39: {  	_ =	swait.ge [sflag:s11], $0x340  }
0x3a: {  	s14 =	sshrl.u32 s17, $0x2;
	[sflag:s11] =	ssyncset.done $0x0  }
0x3b: {  	s13 =	sadd.s32 $0x1, s13;
	s16 =	sadd.s32 $0x680, s14;
	[sflag:s11] =	ssyncadd.s32 $0xFFFFFCC0  }
0x3c: {  	[tilespmem:s16], [sflag:s13] =	stream.indirect.gather [hbm4b:s5+s12], $0x20, s15, s12, $0xb8;
	[tilespmem:$0xE780] =	vst v63  }
0x3d: {  	s17 =	sadd.s32 $0x68, s15;
	s16 =	sadd.s32 $0x1300, s14  }
0x3e: {  	[tilespmem:s16], [sflag:s13] =	stream.indirect.gather [hbm4b:s5+s12], $0x20, s17, s12, $0xb8;
	[tilespmem:$0xE780] =	vst v63  }
0x3f: {  	s16 =	sadd.s32 $0x1F80, s14;
	s17 =	sadd.s32 $0xD0, s15  }
0x40: {  	[tilespmem:s16], [sflag:s13] =	stream.indirect.gather [hbm4b:s5+s12], $0x20, s17, s12, $0xb8;
	[tilespmem:$0xE780] =	vst v63  }
0x41: {  	s16 =	sadd.s32 $0x2C00, s14;
	s17 =	sadd.s32 $0x138, s15  }
0x42: {  	[tilespmem:s16], [sflag:s13] =	stream.indirect.gather [hbm4b:s5+s12], $0x20, s17, s12, $0xb8;
	[tilespmem:$0xE780] =	vst v63  }
0x43: {  	s16 =	sadd.s32 $0x3880, s14;
	s17 =	sadd.s32 $0x1A0, s15  }
0x44: {  	[tilespmem:s16], [sflag:s13] =	stream.indirect.gather [hbm4b:s5+s12], $0x20, s17, s12, $0xb8;
	[tilespmem:$0xE780] =	vst v63  }
0x45: {  	s16 =	sadd.s32 $0x4500, s14;
	s17 =	sadd.s32 $0x208, s15  }
0x46: {  	[tilespmem:s16], [sflag:s13] =	stream.indirect.gather [hbm4b:s5+s12], $0x20, s17, s12, $0xb8;
	[tilespmem:$0xE780] =	vst v63  }
0x47: {  	s16 =	sadd.s32 $0x5180, s14;
	s17 =	sadd.s32 $0x270, s15  }
0x48: {  	[tilespmem:s16], [sflag:s13] =	stream.indirect.gather [hbm4b:s5+s12], $0x20, s17, s12, $0xb8;
	[tilespmem:$0xE780] =	vst v63  }
0x49: {  	s14 =	sadd.s32 $0x5E00, s14;
	s15 =	sadd.s32 $0x2D8, s15  }
0x4a: {  	[tilespmem:s14], [sflag:s13] =	stream.indirect.gather [hbm4b:s5+s12], $0x20, s15, s12, $0xb8;
	[tilespmem:$0xE780] =	vst v63  }
.LBB2_6:
0x4b: {  	s13 =	simm.s32 $0x1  }
0x4c: {  	s13 =	simm.s32 @!p0 $0x0  }
0x4d: {  	s13 =	smul.u32 $0x19000, s13;
	_ =	sdelay $0x1  }
0x4e: {  	s13 =	sshrl.u32 s13, $0x2  }
0x4f: {  	s13 =	sadd.s32 $0x680, s13  }
0x50: {  	s17 =	sadd.s32 $0x1, s1;
	v0 =	vmov s13  }
0x51: {  	_ =	swait.ge [sflag:s17], $0x6400  }
0x52: {  	[sflag:s17] =	ssyncset.done $0x0  }
0x53: {  	[sflag:s17] =	ssyncadd.s32 $0xFFFF9C00;
	s13 =	simm.s32 $0x0  }
0x54: {  	v2 =	vld [tilespmem:s13+$0xCE80]  }
0x55: {  	v1 =	vld.idx.msk [tilespmem:v0+s13+$0x0 ss:$0x1], $0xffff;
	_ =	sdelay $0x4  }
0x56: {  	v1 =	vadd.f32 v1, v2;
	_ =	sdelay $0x1  }
0x57: {  	v3 =	vld [tilespmem:s13+$0xCE90];
	[tilespmem:v0+s13+$0x0 ss:$0x1] =	vst.idx.msk $0xffff, v1  }
0x58: {  	v1 =	vld.idx.msk [tilespmem:v0+s13+$0x10 ss:$0x1], $0xffff;
	_ =	sdelay $0x4  }
0x59: {  	v1 =	vadd.f32 v1, v3;
	_ =	sdelay $0x1  }
0x5a: {  	[tilespmem:v0+s13+$0x10 ss:$0x1] =	vst.idx.msk $0xffff, v1  }
0x5b: {  	v1 =	vld.idx.msk [tilespmem:v0+s13+$0x1900 ss:$0x1], $0xffff;
	_ =	sdelay $0x4  }
0x5c: {  	v1 =	vadd.f32 v1, v2;
	_ =	sdelay $0x1  }
0x5d: {  	[tilespmem:v0+s13+$0x1900 ss:$0x1] =	vst.idx.msk $0xffff, v1  }
0x5e: {  	v1 =	vld.idx.msk [tilespmem:v0+s13+$0x1910 ss:$0x1], $0xffff  }
0x5f: {  	v4 =	vld.idx.msk [tilespmem:v0+s13+$0x3200 ss:$0x1], $0xffff;
	_ =	sdelay $0x3  }
0x60: {  	v1 =	vadd.f32 v1, v3  }
0x61: {  	v4 =	vadd.f32 v4, v2  }
0x62: {  	[tilespmem:v0+s13+$0x1910 ss:$0x1] =	vst.idx.msk $0xffff, v1  }
0x63: {  	[tilespmem:v0+s13+$0x3200 ss:$0x1] =	vst.idx.msk $0xffff, v4  }
0x64: {  	v1 =	vld.idx.msk [tilespmem:v0+s13+$0x3210 ss:$0x1], $0xffff  }
0x65: {  	v4 =	vld.idx.msk [tilespmem:v0+s13+$0x4B00 ss:$0x1], $0xffff;
	_ =	sdelay $0x3  }
0x66: {  	v1 =	vadd.f32 v1, v3  }
0x67: {  	v2 =	vadd.f32 v4, v2  }
0x68: {  	[tilespmem:v0+s13+$0x3210 ss:$0x1] =	vst.idx.msk $0xffff, v1  }
0x69: {  	[tilespmem:v0+s13+$0x4B00 ss:$0x1] =	vst.idx.msk $0xffff, v2  }
0x6a: {  	v1 =	vld.idx.msk [tilespmem:v0+s13+$0x4B10 ss:$0x1], $0xffff;
	_ =	sdelay $0x4  }
0x6b: {  	v1 =	vadd.f32 v1, v3;
	_ =	sdelay $0x1  }
0x6c: {  	[tilespmem:v0+s13+$0x4B10 ss:$0x1] =	vst.idx.msk $0xffff, v1  }
0x6d: {  	v1 =	vld.idx.msk [tilespmem:v0+s13+$0x20 ss:$0x1], $0xffff  }
0x6e: {  	v2 =	vld [tilespmem:s13+$0xCEA0];
	_ =	sdelay $0x4  }
0x6f: {  	v3 =	vadd.f32 v1, v2;
	_ =	sdelay $0x1  }
0x70: {  	v1 =	vld [tilespmem:s13+$0xCEB0];
	[tilespmem:v0+s13+$0x20 ss:$0x1] =	vst.idx.msk $0xffff, v3  }
0x71: {  	v3 =	vld.idx.msk [tilespmem:v0+s13+$0x30 ss:$0x1], $0xffff;
	_ =	sdelay $0x4  }
0x72: {  	v3 =	vadd.f32 v3, v1;
	_ =	sdelay $0x1  }
0x73: {  	[tilespmem:v0+s13+$0x30 ss:$0x1] =	vst.idx.msk $0xffff, v3  }
0x74: {  	v3 =	vld.idx.msk [tilespmem:v0+s13+$0x1920 ss:$0x1], $0xffff;
	_ =	sdelay $0x4  }
0x75: {  	v3 =	vadd.f32 v3, v2;
	_ =	sdelay $0x1  }
0x76: {  	[tilespmem:v0+s13+$0x1920 ss:$0x1] =	vst.idx.msk $0xffff, v3  }
0x77: {  	v3 =	vld.idx.msk [tilespmem:v0+s13+$0x1930 ss:$0x1], $0xffff;
	_ =	sdelay $0x4  }
0x78: {  	v3 =	vadd.f32 v3, v1;
	_ =	sdelay $0x1  }
0x79: {  	[tilespmem:v0+s13+$0x1930 ss:$0x1] =	vst.idx.msk $0xffff, v3  }
0x7a: {  	v3 =	vld.idx.msk [tilespmem:v0+s13+$0x3220 ss:$0x1], $0xffff;
	_ =	sdelay $0x4  }
0x7b: {  	v3 =	vadd.f32 v3, v2;
	_ =	sdelay $0x1  }
0x7c: {  	[tilespmem:v0+s13+$0x3220 ss:$0x1] =	vst.idx.msk $0xffff, v3  }
0x7d: {  	v3 =	vld.idx.msk [tilespmem:v0+s13+$0x3230 ss:$0x1], $0xffff;
	_ =	sdelay $0x4  }
0x7e: {  	v3 =	vadd.f32 v3, v1;
	_ =	sdelay $0x1  }
0x7f: {  	[tilespmem:v0+s13+$0x3230 ss:$0x1] =	vst.idx.msk $0xffff, v3  }
0x80: {  	v3 =	vld.idx.msk [tilespmem:v0+s13+$0x4B20 ss:$0x1], $0xffff;
	_ =	sdelay $0x4  }
0x81: {  	s14 =	smul.u32 $0x19000, s1;
	v2 =	vadd.f32 v3, v2;
	_ =	sdelay $0x1  }
0x82: {  	s14 =	sshrl.u32 s14, $0x2;
	[tilespmem:v0+s13+$0x4B20 ss:$0x1] =	vst.idx.msk $0xffff, v2  }
0x83: {  	s15 =	simm.s32 $0x0;
	s16 =	simm.s32 $0x0;
	s14 =	sadd.s32 $0x680, s14;
	v2 =	vld.idx.msk [tilespmem:v0+s13+$0x4B30 ss:$0x1], $0xffff  }
.LBB2_7:
0x84: {  	_ =	sdelay $0x3  }
0x85: {  	s16 =	sadd.s32 $0x2, s16;
	s15 =	sadd.s32 $0x100, s15;
	v1 =	vadd.f32 v2, v1  }
0x86: {  	p1 =	slt.u32 s16, $0xC6  }
0x87: {  	[tilespmem:v0+s13+$0x4B30 ss:$0x1] =	vst.idx.msk $0xffff, v1;
	s13 =	sshra.s32 s15, $0x2  }
0x88: {  	v1 =	vld.idx.msk [tilespmem:v0+s13+$0x0 ss:$0x1], $0xffff  }
0x89: {  	v2 =	vld [tilespmem:s13+$0xCE80];
	_ =	sdelay $0x4  }
0x8a: {  	v1 =	vadd.f32 v1, v2  }
0x8b: {  	v3 =	vld [tilespmem:s13+$0xCE90]  }
0x8c: {  	[tilespmem:v0+s13+$0x0 ss:$0x1] =	vst.idx.msk $0xffff, v1  }
0x8d: {  	v1 =	vld.idx.msk [tilespmem:v0+s13+$0x10 ss:$0x1], $0xffff;
	_ =	sdelay $0x5  }
0x8e: {  	v1 =	vadd.f32 v1, v3;
	_ =	sdelay $0x1  }
0x8f: {  	[tilespmem:v0+s13+$0x10 ss:$0x1] =	vst.idx.msk $0xffff, v1  }
0x90: {  	v1 =	vld.idx.msk [tilespmem:v0+s13+$0x1900 ss:$0x1], $0xffff;
	_ =	sdelay $0x5  }
0x91: {  	v1 =	vadd.f32 v1, v2;
	_ =	sdelay $0x1  }
0x92: {  	[tilespmem:v0+s13+$0x1900 ss:$0x1] =	vst.idx.msk $0xffff, v1  }
0x93: {  	v1 =	vld.idx.msk [tilespmem:v0+s13+$0x1910 ss:$0x1], $0xffff  }
0x94: {  	v4 =	vld.idx.msk [tilespmem:v0+s13+$0x3200 ss:$0x1], $0xffff;
	_ =	sdelay $0x4  }
0x95: {  	v1 =	vadd.f32 v1, v3  }
0x96: {  	v4 =	vadd.f32 v4, v2  }
0x97: {  	[tilespmem:v0+s13+$0x1910 ss:$0x1] =	vst.idx.msk $0xffff, v1  }
0x98: {  	[tilespmem:v0+s13+$0x3200 ss:$0x1] =	vst.idx.msk $0xffff, v4  }
0x99: {  	v1 =	vld.idx.msk [tilespmem:v0+s13+$0x3210 ss:$0x1], $0xffff  }
0x9a: {  	v4 =	vld.idx.msk [tilespmem:v0+s13+$0x4B00 ss:$0x1], $0xffff;
	_ =	sdelay $0x4  }
0x9b: {  	v1 =	vadd.f32 v1, v3  }
0x9c: {  	v2 =	vadd.f32 v4, v2  }
0x9d: {  	[tilespmem:v0+s13+$0x3210 ss:$0x1] =	vst.idx.msk $0xffff, v1  }
0x9e: {  	[tilespmem:v0+s13+$0x4B00 ss:$0x1] =	vst.idx.msk $0xffff, v2  }
0x9f: {  	v1 =	vld.idx.msk [tilespmem:v0+s13+$0x4B10 ss:$0x1], $0xffff;
	_ =	sdelay $0x5  }
0xa0: {  	v1 =	vadd.f32 v1, v3;
	_ =	sdelay $0x1  }
0xa1: {  	[tilespmem:v0+s13+$0x4B10 ss:$0x1] =	vst.idx.msk $0xffff, v1  }
0xa2: {  	v2 =	vld.idx.msk [tilespmem:v0+s13+$0x20 ss:$0x1], $0xffff  }
0xa3: {  	v3 =	vld [tilespmem:s13+$0xCEA0];
	_ =	sdelay $0x3  }
0xa4: {  	v1 =	vld [tilespmem:s13+$0xCEB0]  }
0xa5: {  	v2 =	vadd.f32 v2, v3;
	_ =	sdelay $0x1  }
0xa6: {  	[tilespmem:v0+s13+$0x20 ss:$0x1] =	vst.idx.msk $0xffff, v2  }
0xa7: {  	v2 =	vld.idx.msk [tilespmem:v0+s13+$0x30 ss:$0x1], $0xffff;
	_ =	sdelay $0x5  }
0xa8: {  	v2 =	vadd.f32 v2, v1;
	_ =	sdelay $0x1  }
0xa9: {  	[tilespmem:v0+s13+$0x30 ss:$0x1] =	vst.idx.msk $0xffff, v2  }
0xaa: {  	v2 =	vld.idx.msk [tilespmem:v0+s13+$0x1920 ss:$0x1], $0xffff;
	_ =	sdelay $0x5  }
0xab: {  	v2 =	vadd.f32 v2, v3;
	_ =	sdelay $0x1  }
0xac: {  	[tilespmem:v0+s13+$0x1920 ss:$0x1] =	vst.idx.msk $0xffff, v2  }
0xad: {  	v2 =	vld.idx.msk [tilespmem:v0+s13+$0x1930 ss:$0x1], $0xffff;
	_ =	sdelay $0x5  }
0xae: {  	v2 =	vadd.f32 v2, v1;
	_ =	sdelay $0x1  }
0xaf: {  	[tilespmem:v0+s13+$0x1930 ss:$0x1] =	vst.idx.msk $0xffff, v2  }
0xb0: {  	v2 =	vld.idx.msk [tilespmem:v0+s13+$0x3220 ss:$0x1], $0xffff;
	_ =	sdelay $0x5  }
0xb1: {  	v2 =	vadd.f32 v2, v3;
	_ =	sdelay $0x1  }
0xb2: {  	[tilespmem:v0+s13+$0x3220 ss:$0x1] =	vst.idx.msk $0xffff, v2  }
0xb3: {  	v2 =	vld.idx.msk [tilespmem:v0+s13+$0x3230 ss:$0x1], $0xffff;
	_ =	sdelay $0x5  }
0xb4: {  	v2 =	vadd.f32 v2, v1;
	_ =	sdelay $0x1  }
0xb5: {  	[tilespmem:v0+s13+$0x3230 ss:$0x1] =	vst.idx.msk $0xffff, v2  }
0xb6: {  	v2 =	vld.idx.msk [tilespmem:v0+s13+$0x4B20 ss:$0x1], $0xffff;
	_ =	sdelay $0x4  }
.Ltmp2:
0xb7: {  	(pc) =	sbr.rel @p1 .LBB2_7-.Ltmp2, $3  }
0xb8: {  	v2 =	vadd.f32 v2, v3;
	_ =	sdelay $0x1  }
0xb9: {  	[tilespmem:v0+s13+$0x4B20 ss:$0x1] =	vst.idx.msk $0xffff, v2  }
0xba: {  	v2 =	vld.idx.msk [tilespmem:v0+s13+$0x4B30 ss:$0x1], $0xffff  }
0xbb: {  	_ =	sdelay $0x1  }
0xbc: {  	s0 =	smul.u32 $0x320, s0  }
0xbd: {  	p1 =	sne.s32 s10, $0x20  }
.Ltmp3:
0xbe: {  	s0 =	sadd.s32 s7, s0;
	v1 =	vadd.f32 v2, v1;
	(pc) =	sbr.rel @p1 .LBB2_2-.Ltmp3, $4  }
0xbf: {  	s0 =	sshll.u32 s0, $0x2  }
0xc0: {  	s1 =	sadd.s32 $0x3, s1;
	s0 =	sadd.s32 s2, s0;
	[tilespmem:v0+s13+$0x4B30 ss:$0x1] =	vst.idx.msk $0xffff, v1  }
0xc1: {  	[hbm4b:s0+s3] =	stream.linear.scatter [tilespmem:s14], [sflag:s1], $0x6400, $0x38;
	[tilespmem:$0xE780] =	vst v63  }
0xc2: {  	p0 =	por !p0, !p0;
	s0 =	smov.u32 s10  }
0xc3: {  	s31 =	sadd.s32 $0x1, s31  }
0xc4: {  	_ =	swait.ge [sflag:s29], $0x6400;
	p0 =	sne.s32 s31, s9  }
.Ltmp4:
0xc5: {  	[sflag:s29] =	ssyncset.done $0x0;
	(pc) =	sbr.rel @p0 .LBB2_1-.Ltmp4, $4  }
0xc6: {  	[sflag:s29] =	ssyncadd.s32 $0xFFFF9C00  }
0xc7: {  	_ =	swait.ge [sflag:s30], $0x6400  }
0xc8: {  	[sflag:s30] =	ssyncset.done $0x0  }
0xc9: {  	[sflag:s30] =	ssyncadd.s32 $0xFFFF9C00  }
0xca: {  	_ =	sfence.sel $0x180000  }
0xcb: {  	[bflag:$0x0] =	sbarrier.arrive $0xFFFF  }
0xcc: {  	_ =	strace $0x90000047  }
0xcd: {  	s0 =	stileid.u32;
	[bflag:$0x2] =	sbarrier.arrive $0xFFFF  }
0xce: {  	p0 =	sne.s32 s0, $0x0;
	s0 =	rddreg [dreg:$0x2]  }
0xcf: {  	s0 =	sadd.s32 @!p0 $0x100000, s0  }
0xd0: {  	[sflag:s0] =	ssyncadd.tile.s32 @!p0 $0x1;
	_ =	shalt  }
.Lfunc_end2:
_tile_overlayer_lowered:
.L_overlay_start_2:
0xd1: {  	(tag) =	ssettag $0x2  }
0xd2: {  	s0 =	rddreg [dreg:$0x0];
	s2 =	stileid.u32  }
0xd3: {  	s1 =	rddreg [dreg:$0x1];
	p0 =	sne.s32 s2, $0x0  }
0xd4: {  	s3 =	rddreg [dreg:$0x2];
	[bflag:$0x3] =	sbarrier.arrive $0xFFFF;
	s2 =	simm.s32 @!p0 $0x1C05  }
0xd5: {  	[timem:s3], [sflag:s2] =	dma.local @!p0 [hbm:s0], s1  }
0xd6: {  	s0 =	simm.s32 @!p0 $0x5  }
0xd7: {  	_ =	swait.ge @!p0 [sflag:s0], s1  }
0xd8: {  	s1 =	ssub.s32 @!p0 $0x0, s1;
	[sflag:s0] =	ssyncset.done @!p0 $0x0  }
0xd9: {  	[sflag:s0] =	ssyncadd.s32 @!p0 s1  }
0xda: {  	[bflag:$0x3] =	sbarrier.arrive $0xFFFF  }
0xdb: {  	_ =	shalt  }

// kernel: sparse-core-data-format-call.cloned.1.call-start
scs
called_computation_lowered:
.L_overlay_start_0:
0x0: {  	s2 =	sld [smem:$0x3FD9]  }
0x1: {  	s3 =	sld [smem:$0x3FFE];
	_ =	sdelay $0x1  }
0x2: {  	s1 =	srdreg.scid  }
0x3: {  	s0 =	sand.u32 $0x1, s1  }
0x4: {  	s18 =	sshll.u32 s0, $0xA;
	s2 =	sadd.s32 s3, s2  }
0x5: {  	s2 =	sadd.s32 s2, s18  }
0x6: {  	[smem:$0x3FC5] =	sst s2  }
0x7: {  	_ = 	snop  }
0x8: {  	s2 =	sld [smem:$0x3FD0];
	(tm) =	ssettm $0x1  }
0x9: {  	s19 =	sld [smem:$0x3FFB];
	_ =	sdelay $0x3  }
0xa: {  	_ =	strace s19  }
0xb: {  	s3 =	sld [smem:$0x3FFC];
	_ =	sdelay $0x3  }
0xc: {  	_ =	strace s3  }
0xd: {  	s3 =	sld [smem:$0x3FFD];
	_ =	sdelay $0x3  }
0xe: {  	_ =	strace s3  }
0xf: {  	_ =	strace $0x8FFFFFFF  }
0x10: {  	s20 =	sld [smem:$0x3FDB];
	_ =	sdelay $0x1  }
0x11: {  	s4 =	simm.s32 $_scs_section_size  }
0x12: {  	s5 =	simm.s32 $_size__tile_overlayer_lowered;
	s6 =	simm.s32 $_tile_overlayer_lowered  }
0x13: {  	s23 =	simm.s32 $0x1BFF;
	s22 =	sshll.u32 s6, $0x1;
	s3 =	sadd.s32 s4, s20  }
0x14: {  	s7 =	simm.s32 $0x0;
	s21 =	sshll.u32 s5, $0x1;
	s5 =	sadd.s32 s22, s3  }
0x15: {  	[timem:s7], [sflag:s23] =	dma.local [hbm:s5], s21  }
0x16: {  	_ =	swait.ge [sflag:s23], s21  }
0x17: {  	s4 =	ssub.s32 $0x0, s21;
	[sflag:s23] =	ssyncset.done $0x0  }
0x18: {  	[sflag:s23] =	ssyncadd.s32 s4;
	_ =	sdelay $0x1  }
0x19: {  	s24 =	simm.s32 $0x1B8B  }
0x1a: {  	_ =	swait.ge [sflag:s24], $0x1  }
0x1b: {  	[sflag:s24] =	ssyncset.done $0x0  }
0x1c: {  	s26 =	simm.s32 $0x1B8E;
	s25 =	sld [smem:$0x3FFE];
	[sflag:s24] =	ssyncadd.s32 $0xFFFFFFFF  }
0x1d: {  	s27 =	simm.s32 $execute0_lowered;
	[smem:$0x3FD2] =	sst s26  }
0x1e: {  	s5 =	sshll.u32 s27, $0x1;
	_ =	strace $0x80000049;
	[dreg:$0x1] =	wrdreg $0xFFFFFFFF  }
0x1f: {  	s28 =	simm.s32 $_size_execute0_lowered;
	s3 =	sadd.s32 s3, s5;
	[dreg:$0x0] =	wrdreg $0x0  }
0x20: {  	s5 =	sshll.u32 s28, $0x1;
	[dreg:$0x2] =	wrdreg s3  }
0x21: {  	[dreg:$0x3] =	wrdreg s5  }
0x22: {  	[dreg:$0x4] =	wrdreg $0xC0  }
0x23: {  	_ =	task [dreg:s7], $0x5FFFF  }
0x24: {  	[dreg:$0x1] =	wrdreg $0xFFFFFFFF  }
0x25: {  	[dreg:$0x0] =	wrdreg $0x60  }
0x26: {  	[dreg:$0x2] =	wrdreg s25  }
0x27: {  	[dreg:$0x3] =	wrdreg s2  }
0x28: {  	[dreg:$0x4] =	wrdreg $0x9  }
0x29: {  	_ =	task.clear_ibuf [dreg:s7], $0x5FFFF;
	_ =	strace $0x90000049  }
0x2a: {  	s29 =	simm.s32 $0x9;
	_ =	strace $0x8000004B  }
0x2b: {  	_ =	swait.ge [sflag:s29], $0x1  }
0x2c: {  	[sflag:s29] =	ssyncadd.s32 $0xFFFFFFFF  }
0x2d: {  	_ =	strace $0x9000004B  }
0x2e: {  	_ =	sfence  }
0x2f: {  	s30 =	sld [smem:$0x0];
	_ =	sdelay $0x2  }
0x30: {  	s31 =	sshll.u32 s1, $0xD;
	s1 =	sshrl.u32 s1, $0x2  }
0x31: {  	s3 =	sand.u32 $0x4000, s31;
	s1 =	sadd.s32 s1, s30  }
0x32: {  	s0 =	sor.u32 s3, s0;
	s1 =	sshll.u32 s1, $0x11  }
0x33: {  	s0 =	sor.u32 s1, s0  }
0x34: {  	s0 =	sadd.s32 $0x8F2B, s0  }
0x35: {  	[sflag:s0] =	ssyncadd.remote.s32 $0x1  }
0x36: {  	_ =	sfence.sel $0xFFFF  }
0x37: {  	[dreg:$0x0] =	wrdreg $0xFFFFFFFF;
	(pc) =	sbr.abs _section_cstart, $3  }
0x38: {  	[dreg:$0x1] =	wrdreg $0xFFFFFFFF  }
0x39: {  	_ =	task.clear_ibuf [dreg:s7], $0x2FFFF;
	_ =	strace $0x9FFFFFFF  }
0x3a: {  	(tm) =	ssettm $0x7FFFFFFF  }
0x3b: {  	_ =	shalt  }
tec
execute0_lowered:
.L_overlay_start_1:
0x0: {  	(tag) =	ssettag $0x1  }
0x1: {  	s0 =	srdreg.scid  }
0x2: {  	s1 =	sshll.u32 s0, $0x4  }
0x3: {  	s0 =	stileid.u32;
	s1 =	sand.u32 $0x10, s1  }
0x4: {  	s1 =	sor.u32 s0, s1  }
0x5: {  	s6 =	rddreg [dreg:$0x0];
	s4 =	simm.s32 $0x1;
	s2 =	sshll.u32 s1, $0x7  }
0x6: {  	s7 =	simm.s32 $0x2;
	s12 =	simm.s32 $0x0;
	s1 =	ssub.s32 $0x1000, s2  }
0x7: {  	s8 =	simm.s32 $0x8000;
	s13 =	simm.s32 $0x0;
	s3 =	sand.u32 $0xF80, s1  }
0x8: {  	s9 =	simm.s32 $0x0;
	s5 =	sshrl.u32 s1, $0xC;
	p0 =	sne.s32 s3, $0x0  }
.Ltmp0:
0x9: {  	s1 =	rddreg [dreg:$0x2];
	s4 =	simm.s32 @!p0 $0x0;
	(pc) =	sbr.rel .LBB1_1-.Ltmp0, $4  }
0xa: {  	s11 =	simm.s32 $0x0;
	s3 =	rddreg [dreg:$0x1];
	s5 =	sadd.s32 s4, s5  }
0xb: {  	_ =	strace $0x8000004A;
	s4 =	simm.s32 $0x1;
	s5 =	smul.u32 $0xC8, s5  }
0xc: {  	s6 =	sadd.s32 $0xC00, s6;
	s10 =	smov.u32 s2;
	[sflag:s4] =	ssyncpa.u1 $0x0  }
0xd: {  	p0 =	por $0x0, $0x0;
	[sflag:s7] =	ssyncpa.u1 $0x0;
	s7 =	sor.u32 $0x1, s5  }
.LBB1_4:
0xe: {  	s16 =	sshll.u32 s13, $0x3;
	s17 =	sand.u32 $0x78, s13  }
0xf: {  	s30 =	sand.u32 $0x3E00, s13;
	s12 =	sshll.u32 s12, $0xE;
	s16 =	sand.u32 $0xC00, s16  }
0x10: {  	s31 =	sand.u32 $0x7, s13;
	s16 =	sor.u32 s17, s16;
	s17 =	sadd.s32 s3, s30  }
0x11: {  	s13 =	sshll.u32 s31, $0x12;
	s16 =	sshrl.u32 s16, $0x3;
	s12 =	sadd.s32 s12, s17  }
0x12: {  	[tilespmem:s15+$0x0 ss:$0x81] =	vst.msk $0xffff, v0;
	s13 =	sor.u32 $0x400, s13;
	s12 =	sadd.s32 s16, s12  }
0x13: {  	[hbm4b:s12+s13] =	stream.strided.scatter [tilespmem:s14], [sflag:$0x2], $0x1000, s8, s13, $0x20;
	[tilespmem:$0x4040] =	vst v63  }
.LBB1_5:
0x14: {  	s14 =	sadd.s32 $0x1, s9  }
0x15: {  	s12 =	sadd.s32 $0x1000, s10;
	s16 =	smov.u32 s10;
	p2 =	sgt.s32 s14, $0xC7  }
0x16: {  	s16 =	smov.u32 @p2 s12  }
0x17: {  	s14 =	simm.s32 @p2 $0x0;
	p2 =	sgt.s32 s16, $0xFFF  }
0x18: {  	s16 =	smov.u32 @p2 s2;
	p2 =	sne.s32 s11, s7  }
.Ltmp1:
0x19: {  	p1 =	slt.u32 s11, $0x2;
	(pc) =	sbr.rel @!p2 .LBB1_6-.Ltmp1, $4  }
0x1a: {  	s15 =	simm.s32 @!p1 $0x2  }
0x1b: {  	s13 =	smov.u32 s10;
	p0 =	por !p0, !p0;
	_ =	swait.ge @!p1 [sflag:s15], $0x1000  }
0x1c: {  	s12 =	smov.u32 s9;
	[sflag:s15] =	ssyncset.done @!p1 $0x0;
	s9 =	smov.u32 s14  }
0x1d: {  	s11 =	sadd.s32 $0x1, s11;
	[sflag:s15] =	ssyncadd.s32 @!p1 $0xFFFFF000;
	s10 =	smov.u32 s16  }
.LBB1_1:
0x1e: {  	p1 =	sge.u32 s11, s5  }
0x1f: {  	s14 =	sand.u32 @!p1 $0x1FFFFFF, s9  }
0x20: {  	s15 =	smulhi.u32 @!p1 $0x147AE15, s14;
	_ =	sdelay $0x1  }
0x21: {  	s15 =	smul.u32 @!p1 $0xC8, s15  }
0x22: {  	s16 =	sxor.u32 @!p1 $0xFFFFFFFF, s11;
	s17 =	smul.u32 @!p1 $0xC80, s10  }
0x23: {  	s31 =	sadd.s32 $0xFFFFFFFF, s11;
	s16 =	sshll.u32 @!p1 s16, $0xC;
	s14 =	ssub.s32 @!p1 s14, s15  }
0x24: {  	s15 =	sand.u32 @!p1 $0x1000, s16;
	s16 =	sadd.s32 @!p1 s6, s17;
	s14 =	sshll.u32 @!p1 s14, $0x4  }
0x25: {  	s17 =	simm.s32 @!p1 $0x6400;
	s14 =	sadd.s32 @!p1 s14, s16;
	s16 =	simm.s32 @!p1 $0x20  }
0x26: {  	[tilespmem:s15], [sflag:$0x1] =	stream.strided.gather @!p1 [hbm4b:s14+s16], $0x1000, s17, s16, $0x38;
	[tilespmem:$0x4040] =	vst v63  }
0x27: {  	p1 =	sge.u32 s31, s5  }
.Ltmp2:
0x28: {  	_ = 	snop;
	(pc) =	sbr.rel @p1 .LBB1_5-.Ltmp2, $1  }
0x29: {  	_ =	sdelay $0x3  }
0x2a: {  	s14 =	simm.s32 $0x1  }
0x2b: {  	_ =	swait.ge [sflag:s4], $0x1000;
	s14 =	simm.s32 @!p0 $0x0  }
0x2c: {  	[sflag:s4] =	ssyncset.done $0x0;
	s15 =	sshll.u32 s14, $0xC  }
0x2d: {  	[sflag:s4] =	ssyncadd.s32 $0xFFFFF000;
	s18 =	sor.u32 $0x10, s15  }
0x2e: {  	s14 =	smul.u32 $0x4080, s14;
	v1 =	vld [tilespmem:s18+$0x0]  }
0x2f: {  	s30 =	sand.u32 $0x1, s11;
	v0 =	vld [tilespmem:s18+$0xFFFFFFF0]  }
0x30: {  	s15 =	smul.u32 $0x4080, s30;
	s14 =	sshrl.u32 s14, $0x2  }
0x31: {  	s16 =	sor.u32 $0x2000, s14  }
0x32: {  	s31 =	sshrl.u32 s15, $0x2;
	s15 =	sadd.s32 $0x0, s16  }
0x33: {  	s17 =	simm.s32 $0x4;
	s18 =	sadd.s32 $0x20, s18;
	s14 =	sor.u32 $0x2000, s31;
	[tilespmem:s15+$0x810 ss:$0x81] =	vst.msk $0xffff, v1  }
.LBB1_3:
0x34: {  	v1 =	vld [tilespmem:s18+$0x0];
	p1 =	sne.s32 s17, $0x1FC;
	[tilespmem:s15+$0x0 ss:$0x81] =	vst.msk $0xffff, v0;
	s15 =	smov.u32 s17;
	s17 =	sadd.s32 $0x4, s17  }
.Ltmp3:
0x35: {  	v0 =	vld [tilespmem:s18+$0xFFFFFFF0];
	(pc) =	sbr.rel @p1 .LBB1_3-.Ltmp3, $4  }
0x36: {  	_ = 	snop  }
0x37: {  	s15 =	sshra.s32 s15, $0x2  }
0x38: {  	s15 =	sadd.s32 s15, s16  }
0x39: {  	s18 =	sadd.s32 $0x20, s18;
	[tilespmem:s15+$0x810 ss:$0x81] =	vst.msk $0xffff, v1  }
.Ltmp4:
0x3a: {  	_ = 	snop;
	(pc) =	sbr.rel .LBB1_4-.Ltmp4, $1  }
0x3b: {  	_ =	sdelay $0x3  }
.LBB1_6:
0x3c: {  	_ =	sfence.sel $0x180000  }
0x3d: {  	s2 =	simm.s32 $0x1;
	[bflag:$0x0] =	sbarrier.arrive $0xFFFF  }
0x3e: {  	s31 =	simm.s32 $0x2;
	[sflag:s2] =	ssyncpa.u1 $0x1  }
0x3f: {  	[sflag:s31] =	ssyncpa.u1 $0x1  }
0x40: {  	p0 =	sne.s32 s0, $0x0;
	_ =	strace $0x9000004A  }
0x41: {  	s0 =	sadd.s32 @!p0 $0x100000, s1;
	[bflag:$0x2] =	sbarrier.arrive $0xFFFF  }
0x42: {  	[sflag:s0] =	ssyncadd.tile.s32 @!p0 $0x1;
	_ =	shalt  }
.Lfunc_end1:
_tile_overlayer_lowered:
.L_overlay_start_2:
0x43: {  	(tag) =	ssettag $0x2  }
0x44: {  	s0 =	rddreg [dreg:$0x0];
	s2 =	stileid.u32  }
0x45: {  	s1 =	rddreg [dreg:$0x1];
	p0 =	sne.s32 s2, $0x0  }
0x46: {  	s3 =	rddreg [dreg:$0x2];
	[bflag:$0x3] =	sbarrier.arrive $0xFFFF;
	s2 =	simm.s32 @!p0 $0x1C01  }
0x47: {  	[timem:s3], [sflag:s2] =	dma.local @!p0 [hbm:s0], s1  }
0x48: {  	s0 =	simm.s32 @!p0 $0x1  }
0x49: {  	_ =	swait.ge @!p0 [sflag:s0], s1  }
0x4a: {  	s1 =	ssub.s32 @!p0 $0x0, s1;
	[sflag:s0] =	ssyncset.done @!p0 $0x0  }
0x4b: {  	[sflag:s0] =	ssyncadd.s32 @!p0 s1  }
0x4c: {  	[bflag:$0x3] =	sbarrier.arrive $0xFFFF  }
0x4d: {  	_ =	shalt  }

</sc_bundles>
